<compile_context>
chip_gen: v7x
topology: tpu7x:2x2x1
jax: 0.10.2.dev20260603
libtpu: 0.0.44.dev20260713+nightly
codegen_flags: <defaults>
</compile_context>

<pallas_src>
import functools

import jax
import jax.numpy as jnp
from jax import lax
from jax.experimental import pallas as pl
from jax.experimental.pallas import tpu as pltpu
from jax.experimental.pallas import tpu_sc as plsc

_B = 1024
_SEQ = 256
_DIM = 256

_NBG = 8
_NQ = 4
_QROWS = _SEQ // _NQ
_BPG = _B // _NBG
_RC = 64
_CPB = _QROWS // _RC
_NCH = _BPG * _CPB
_DEPTH = 4
_LEAD = 2


def _sc_body(x_hbm, pe_hbm, out_hbm, pe_v, *bufs_and_sems):
    bufs = bufs_and_sems[0:_DEPTH]
    sin = bufs_and_sems[_DEPTH:2 * _DEPTH]
    sout = bufs_and_sems[2 * _DEPTH:3 * _DEPTH]

    wid = lax.axis_index("s") * 2 + lax.axis_index("c")
    bg = lax.div(wid, _NQ)
    q = lax.rem(wid, _NQ)
    pltpu.sync_copy(pe_hbm.at[pl.ds(q * _QROWS, _QROWS)], pe_v)

    def row0_of(t):
        b = bg * _BPG + lax.div(t, _CPB)
        return b * _SEQ + q * _QROWS + lax.rem(t, _CPB) * _RC

    def fire_in(t, i):
        pltpu.make_async_copy(
            x_hbm.at[pl.ds(row0_of(t), _RC)], bufs[i], sin[i]).start()

    def fire_out(t, i):
        pltpu.make_async_copy(
            bufs[i], out_hbm.at[pl.ds(row0_of(t), _RC)], sout[i]).start()

    def drain_in(i):
        pltpu.make_async_copy(
            x_hbm.at[pl.ds(0, _RC)], bufs[i], sin[i]).wait()

    def drain_out(i):
        pltpu.make_async_copy(
            bufs[i], out_hbm.at[pl.ds(0, _RC)], sout[i]).wait()

    def compute(t, i):
        p0 = lax.rem(t, _CPB) * _RC
        buf = bufs[i]

        def row(r, c):
            for j in range(_DIM // 16):
                d = pl.ds(j * 16, 16)
                buf[r, d] = buf[r, d] + pe_v[p0 + r, d]
            return c

        lax.fori_loop(0, _RC, row, 0)

    for i in range(_DEPTH):
        fire_in(i, i)

    def body(k, carry):
        for i in range(_DEPTH):
            t = k * _DEPTH + i
            drain_in(i)
            compute(t, i)
            fire_out(t, i)
            j = (i + _LEAD) % _DEPTH
            if i < _LEAD:
                @pl.when(k > 0)
                def _():
                    drain_out(j)
                    fire_in(t + _LEAD, j)
            else:
                @pl.when(k < _NCH // _DEPTH - 1)
                def _():
                    drain_out(j)
                    fire_in(t + _LEAD, j)
        return carry

    lax.fori_loop(0, _NCH // _DEPTH, body, 0)
    for i in range(_DEPTH):
        drain_out(i)


def _sc_add(x2d, pe):
    kfn = functools.partial(
        pl.kernel,
        out_type=jax.ShapeDtypeStruct((_B * _SEQ, _DIM), jnp.float32),
        mesh=plsc.VectorSubcoreMesh(core_axis_name="c", subcore_axis_name="s"),
        scratch_types=(
            [pltpu.VMEM((_QROWS, _DIM), jnp.float32)]
            + [pltpu.VMEM((_RC, _DIM), jnp.float32) for _ in range(_DEPTH)]
            + [pltpu.SemaphoreType.DMA for _ in range(2 * _DEPTH)]
        ),
    )(_sc_body)
    return kfn(x2d, pe)


def kernel(x, pos_emb):
    B, S, D = x.shape
    pe = pos_emb[:S]
    return _sc_add(x.reshape(B * S, D), pe).reshape(B, S, D)

# --- scband reference (transcript-rebuilt; emitter-appended) ---
"""Pipeline reference for scband-positional-encoding-66675072303348 (READ-ONLY COPY).

The authoritative reference and input builder live on the scoring server;
editing this copy changes nothing except your own understanding.
"""

import jax, jax.numpy as jnp
import numpy as np

BATCH = 1024
SEQ_LEN = 256
EMBED_DIM = 256
MAX_POSITIONS = SEQ_LEN + 1  # max_seq_len + 1 for CLS token slot


def setup_inputs(seed: int = 0) -> dict:
    key = jax.random.key(seed)
    kx, kp = jax.random.split(key)
    x = jax.random.normal(kx, (BATCH, SEQ_LEN, EMBED_DIM), dtype=jnp.float32)
    # Learned positional embedding table, init N(0, 0.02)
    pos_emb = 0.02 * jax.random.normal(kp, (MAX_POSITIONS, EMBED_DIM), dtype=jnp.float32)
    return {"x": x, "pos_emb": pos_emb}


def reference(x, pos_emb):
    seq_len = x.shape[1]
    positions = jnp.arange(seq_len, dtype=jnp.int32)
    position_embeddings = jnp.take(pos_emb, positions, axis=0)  # [seq_len, d]
    result = x + position_embeddings[None, :, :]
    return result

if __name__ == "__main__":
    import jax
    _d = setup_inputs()
    print(jax.jit(kernel)(*tuple(_d.values())))

</pallas_src>

<mosaic_0001>
#map = affine_map<(d0, d1) -> (0, 0)>
module attributes {stable_mosaic.version = 14 : i64} {
  func.func @_sc_body(%arg0: i32, %arg1: i32, %arg2: memref<262144x256xf32, #tpu.memory_space<hbm>>, %arg3: memref<256x256xf32, #tpu.memory_space<hbm>>, %arg4: memref<262144x256xf32, #tpu.memory_space<hbm>>, %arg5: memref<64x256xf32, #tpu.memory_space<vmem>>, %arg6: memref<64x256xf32, #tpu.memory_space<vmem>>, %arg7: memref<64x256xf32, #tpu.memory_space<vmem>>, %arg8: memref<64x256xf32, #tpu.memory_space<vmem>>, %arg9: memref<64x256xf32, #tpu.memory_space<vmem>>, %arg10: memref<!tpu.dma_semaphore, #tpu.memory_space<semaphore_mem>>, %arg11: memref<!tpu.dma_semaphore, #tpu.memory_space<semaphore_mem>>, %arg12: memref<!tpu.dma_semaphore, #tpu.memory_space<semaphore_mem>>, %arg13: memref<!tpu.dma_semaphore, #tpu.memory_space<semaphore_mem>>, %arg14: memref<!tpu.dma_semaphore, #tpu.memory_space<semaphore_mem>>, %arg15: memref<!tpu.dma_semaphore, #tpu.memory_space<semaphore_mem>>, %arg16: memref<!tpu.dma_semaphore, #tpu.memory_space<semaphore_mem>>, %arg17: memref<!tpu.dma_semaphore, #tpu.memory_space<semaphore_mem>>) attributes {dimension_semantics = [#tpu.dimension_semantics<core_parallel>, #tpu.dimension_semantics<subcore_parallel>], iteration_bounds = array<i64: 2, 16>, scalar_prefetch = 0 : i64, scratch_operands = 13 : i64, tpu.core_type = #tpu.core_type<sc_vector_subcore>, window_params = [{transform_indices = #map}, {transform_indices = #map}, {transform_indices = #map}]} {
    %mul3A = arith.constant 2 : i32
    %mul3A_0 = arith.muli %arg1, %mul3A : i32
    %add3A = arith.addi %mul3A_0, %arg0 : i32
    %div3A = arith.constant 4 : i32
    %div3A_1 = arith.divsi %add3A, %div3A : i32
    %rem3A = arith.constant 4 : i32
    %rem3A_2 = arith.remsi %add3A, %rem3A : i32
    %mul3A_3 = arith.constant 64 : i32
    %mul3A_4 = arith.muli %rem3A_2, %mul3A_3 : i32
    "tpu.region"() ({
      %run_scoped3A = tpu.sem_alloc : memref<!tpu.dma_semaphore, #tpu.memory_space<semaphore_mem>>
      %dma_start3A_116 = arith.constant 0 : i32
      %dma_start3A_117 = tpu.memref_slice %arg3[%mul3A_4, %dma_start3A_116] : memref<256x256xf32, #tpu.memory_space<hbm>> -> memref<64x256xf32, #tpu.memory_space<hbm>>
      %dma_start3A_118 = arith.constant 0 : i32
      %dma_start3A_119 = tpu.memref_slice %arg3[%mul3A_4, %dma_start3A_118] : memref<256x256xf32, #tpu.memory_space<hbm>> -> memref<64x256xf32, #tpu.memory_space<hbm>>
      tpu.enqueue_dma source(%dma_start3A_119 : memref<64x256xf32, #tpu.memory_space<hbm>>) target(%arg5 : memref<64x256xf32, #tpu.memory_space<vmem>>) target_semaphore(%run_scoped3A : memref<!tpu.dma_semaphore, #tpu.memory_space<semaphore_mem>>)
      %dma_wait3A_120 = arith.constant 0 : i32
      %dma_wait3A_121 = tpu.memref_slice %arg3[%mul3A_4, %dma_wait3A_120] : memref<256x256xf32, #tpu.memory_space<hbm>> -> memref<64x256xf32, #tpu.memory_space<hbm>>
      %dma_wait3A_122 = arith.constant 0 : i32
      %dma_wait3A_123 = tpu.memref_slice %arg3[%mul3A_4, %dma_wait3A_122] : memref<256x256xf32, #tpu.memory_space<hbm>> -> memref<64x256xf32, #tpu.memory_space<hbm>>
      tpu.wait_dma2 semaphore(%run_scoped3A : memref<!tpu.dma_semaphore, #tpu.memory_space<semaphore_mem>>) src(%dma_wait3A_123 : memref<64x256xf32, #tpu.memory_space<hbm>>) dst(%arg5 : memref<64x256xf32, #tpu.memory_space<vmem>>)
      tpu.yield
    }) : () -> ()
    %mul3A_5 = arith.constant 128 : i32
    %mul3A_6 = arith.muli %div3A_1, %mul3A_5 : i32
    %div3A_7 = arith.constant 0 : i32
    %div3A_8 = arith.constant 1 : i32
    %div3A_9 = arith.divsi %div3A_7, %div3A_8 : i32
    %add3A_10 = arith.addi %mul3A_6, %div3A_9 : i32
    %mul3A_11 = arith.constant 256 : i32
    %mul3A_12 = arith.muli %add3A_10, %mul3A_11 : i32
    %mul3A_13 = arith.constant 64 : i32
    %mul3A_14 = arith.muli %rem3A_2, %mul3A_13 : i32
    %add3A_15 = arith.addi %mul3A_12, %mul3A_14 : i32
    %rem3A_16 = arith.constant 0 : i32
    %rem3A_17 = arith.constant 1 : i32
    %rem3A_18 = arith.remsi %rem3A_16, %rem3A_17 : i32
    %mul3A_19 = arith.constant 64 : i32
    %mul3A_20 = arith.muli %rem3A_18, %mul3A_19 : i32
    %add3A_21 = arith.addi %add3A_15, %mul3A_20 : i32
    %dma_start3A = arith.constant 0 : i32
    %dma_start3A_22 = tpu.memref_slice %arg2[%add3A_21, %dma_start3A] : memref<262144x256xf32, #tpu.memory_space<hbm>> -> memref<64x256xf32, #tpu.memory_space<hbm>>
    %dma_start3A_23 = arith.constant 0 : i32
    %dma_start3A_24 = tpu.memref_slice %arg2[%add3A_21, %dma_start3A_23] : memref<262144x256xf32, #tpu.memory_space<hbm>> -> memref<64x256xf32, #tpu.memory_space<hbm>>
    tpu.enqueue_dma source(%dma_start3A_24 : memref<64x256xf32, #tpu.memory_space<hbm>>) target(%arg6 : memref<64x256xf32, #tpu.memory_space<vmem>>) target_semaphore(%arg10 : memref<!tpu.dma_semaphore, #tpu.memory_space<semaphore_mem>>)
    %mul3A_25 = arith.constant 128 : i32
    %mul3A_26 = arith.muli %div3A_1, %mul3A_25 : i32
    %div3A_27 = arith.constant 1 : i32
    %div3A_28 = arith.constant 1 : i32
    %div3A_29 = arith.divsi %div3A_27, %div3A_28 : i32
    %add3A_30 = arith.addi %mul3A_26, %div3A_29 : i32
    %mul3A_31 = arith.constant 256 : i32
    %mul3A_32 = arith.muli %add3A_30, %mul3A_31 : i32
    %mul3A_33 = arith.constant 64 : i32
    %mul3A_34 = arith.muli %rem3A_2, %mul3A_33 : i32
    %add3A_35 = arith.addi %mul3A_32, %mul3A_34 : i32
    %rem3A_36 = arith.constant 1 : i32
    %rem3A_37 = arith.constant 1 : i32
    %rem3A_38 = arith.remsi %rem3A_36, %rem3A_37 : i32
    %mul3A_39 = arith.constant 64 : i32
    %mul3A_40 = arith.muli %rem3A_38, %mul3A_39 : i32
    %add3A_41 = arith.addi %add3A_35, %mul3A_40 : i32
    %dma_start3A_42 = arith.constant 0 : i32
    %dma_start3A_43 = tpu.memref_slice %arg2[%add3A_41, %dma_start3A_42] : memref<262144x256xf32, #tpu.memory_space<hbm>> -> memref<64x256xf32, #tpu.memory_space<hbm>>
    %dma_start3A_44 = arith.constant 0 : i32
    %dma_start3A_45 = tpu.memref_slice %arg2[%add3A_41, %dma_start3A_44] : memref<262144x256xf32, #tpu.memory_space<hbm>> -> memref<64x256xf32, #tpu.memory_space<hbm>>
    tpu.enqueue_dma source(%dma_start3A_45 : memref<64x256xf32, #tpu.memory_space<hbm>>) target(%arg7 : memref<64x256xf32, #tpu.memory_space<vmem>>) target_semaphore(%arg11 : memref<!tpu.dma_semaphore, #tpu.memory_space<semaphore_mem>>)
    %mul3A_46 = arith.constant 128 : i32
    %mul3A_47 = arith.muli %div3A_1, %mul3A_46 : i32
    %div3A_48 = arith.constant 2 : i32
    %div3A_49 = arith.constant 1 : i32
    %div3A_50 = arith.divsi %div3A_48, %div3A_49 : i32
    %add3A_51 = arith.addi %mul3A_47, %div3A_50 : i32
    %mul3A_52 = arith.constant 256 : i32
    %mul3A_53 = arith.muli %add3A_51, %mul3A_52 : i32
    %mul3A_54 = arith.constant 64 : i32
    %mul3A_55 = arith.muli %rem3A_2, %mul3A_54 : i32
    %add3A_56 = arith.addi %mul3A_53, %mul3A_55 : i32
    %rem3A_57 = arith.constant 2 : i32
    %rem3A_58 = arith.constant 1 : i32
    %rem3A_59 = arith.remsi %rem3A_57, %rem3A_58 : i32
    %mul3A_60 = arith.constant 64 : i32
    %mul3A_61 = arith.muli %rem3A_59, %mul3A_60 : i32
    %add3A_62 = arith.addi %add3A_56, %mul3A_61 : i32
    %dma_start3A_63 = arith.constant 0 : i32
    %dma_start3A_64 = tpu.memref_slice %arg2[%add3A_62, %dma_start3A_63] : memref<262144x256xf32, #tpu.memory_space<hbm>> -> memref<64x256xf32, #tpu.memory_space<hbm>>
    %dma_start3A_65 = arith.constant 0 : i32
    %dma_start3A_66 = tpu.memref_slice %arg2[%add3A_62, %dma_start3A_65] : memref<262144x256xf32, #tpu.memory_space<hbm>> -> memref<64x256xf32, #tpu.memory_space<hbm>>
    tpu.enqueue_dma source(%dma_start3A_66 : memref<64x256xf32, #tpu.memory_space<hbm>>) target(%arg8 : memref<64x256xf32, #tpu.memory_space<vmem>>) target_semaphore(%arg12 : memref<!tpu.dma_semaphore, #tpu.memory_space<semaphore_mem>>)
    %mul3A_67 = arith.constant 128 : i32
    %mul3A_68 = arith.muli %div3A_1, %mul3A_67 : i32
    %div3A_69 = arith.constant 3 : i32
    %div3A_70 = arith.constant 1 : i32
    %div3A_71 = arith.divsi %div3A_69, %div3A_70 : i32
    %add3A_72 = arith.addi %mul3A_68, %div3A_71 : i32
    %mul3A_73 = arith.constant 256 : i32
    %mul3A_74 = arith.muli %add3A_72, %mul3A_73 : i32
    %mul3A_75 = arith.constant 64 : i32
    %mul3A_76 = arith.muli %rem3A_2, %mul3A_75 : i32
    %add3A_77 = arith.addi %mul3A_74, %mul3A_76 : i32
    %rem3A_78 = arith.constant 3 : i32
    %rem3A_79 = arith.constant 1 : i32
    %rem3A_80 = arith.remsi %rem3A_78, %rem3A_79 : i32
    %mul3A_81 = arith.constant 64 : i32
    %mul3A_82 = arith.muli %rem3A_80, %mul3A_81 : i32
    %add3A_83 = arith.addi %add3A_77, %mul3A_82 : i32
    %dma_start3A_84 = arith.constant 0 : i32
    %dma_start3A_85 = tpu.memref_slice %arg2[%add3A_83, %dma_start3A_84] : memref<262144x256xf32, #tpu.memory_space<hbm>> -> memref<64x256xf32, #tpu.memory_space<hbm>>
    %dma_start3A_86 = arith.constant 0 : i32
    %dma_start3A_87 = tpu.memref_slice %arg2[%add3A_83, %dma_start3A_86] : memref<262144x256xf32, #tpu.memory_space<hbm>> -> memref<64x256xf32, #tpu.memory_space<hbm>>
    tpu.enqueue_dma source(%dma_start3A_87 : memref<64x256xf32, #tpu.memory_space<hbm>>) target(%arg9 : memref<64x256xf32, #tpu.memory_space<vmem>>) target_semaphore(%arg13 : memref<!tpu.dma_semaphore, #tpu.memory_space<semaphore_mem>>)
    %scan3A = arith.constant 0 : i32
    %scan3A_88 = arith.constant 0 : i32
    %scan3A_89 = arith.constant 32 : i32
    %scan3A_90 = arith.addi %scan3A_88, %scan3A_89 : i32
    %scan3A_91 = arith.constant 1 : i32
    scf.for %scan3A_116 = %scan3A_88 to %scan3A_90 step %scan3A_91  : i32 {
      %mul3A_117 = arith.constant 4 : i32
      %mul3A_118 = arith.muli %scan3A_116, %mul3A_117 : i32
      %add3A_119 = arith.constant 0 : i32
      %add3A_120 = arith.addi %mul3A_118, %add3A_119 : i32
      %dma_wait3A_121 = arith.constant 0 : i32
      %dma_wait3A_122 = arith.constant 0 : i32
      %dma_wait3A_123 = tpu.memref_slice %arg2[%dma_wait3A_121, %dma_wait3A_122] : memref<262144x256xf32, #tpu.memory_space<hbm>> -> memref<64x256xf32, #tpu.memory_space<hbm>>
      %dma_wait3A_124 = arith.constant 0 : i32
      %dma_wait3A_125 = arith.constant 0 : i32
      %dma_wait3A_126 = tpu.memref_slice %arg2[%dma_wait3A_124, %dma_wait3A_125] : memref<262144x256xf32, #tpu.memory_space<hbm>> -> memref<64x256xf32, #tpu.memory_space<hbm>>
      tpu.wait_dma2 semaphore(%arg10 : memref<!tpu.dma_semaphore, #tpu.memory_space<semaphore_mem>>) src(%dma_wait3A_126 : memref<64x256xf32, #tpu.memory_space<hbm>>) dst(%arg6 : memref<64x256xf32, #tpu.memory_space<vmem>>)
      %rem3A_127 = arith.constant 1 : i32
      %rem3A_128 = arith.remsi %add3A_120, %rem3A_127 : i32
      %mul3A_129 = arith.constant 64 : i32
      %mul3A_130 = arith.muli %rem3A_128, %mul3A_129 : i32
      %scan3A_131 = arith.constant 0 : i32
      %scan3A_132 = arith.constant 0 : i32
      %scan3A_133 = arith.constant 64 : i32
      %scan3A_134 = arith.addi %scan3A_132, %scan3A_133 : i32
      %scan3A_135 = arith.constant 1 : i32
      scf.for %scan3A_289 = %scan3A_132 to %scan3A_134 step %scan3A_135  : i32 {
        %get3A = arith.index_cast %scan3A_289 : i32 to index
        %get3A_290 = arith.constant 0 : index
        %get3A_291 = tpu.vector_load %arg6[%get3A, %get3A_290] {strides = array<i32>} : memref<64x256xf32, #tpu.memory_space<vmem>>, vector<1x16xf32>,
        %get3A_292 = vector.shape_cast %get3A_291 : vector<1x16xf32> to vector<16xf32>
        %add3A_293 = arith.addi %mul3A_130, %scan3A_289 : i32
        %get3A_294 = arith.index_cast %add3A_293 : i32 to index
        %get3A_295 = arith.constant 0 : index
        %get3A_296 = tpu.vector_load %arg5[%get3A_294, %get3A_295] {strides = array<i32>} : memref<64x256xf32, #tpu.memory_space<vmem>>, vector<1x16xf32>,
        %get3A_297 = vector.shape_cast %get3A_296 : vector<1x16xf32> to vector<16xf32>
        %add3A_298 = arith.addf %get3A_292, %get3A_297 : vector<16xf32>
        %swap3A = arith.index_cast %scan3A_289 : i32 to index
        %swap3A_299 = arith.constant 0 : index
        %swap3A_300 = tpu.vector_load %arg6[%swap3A, %swap3A_299] {strides = array<i32>} : memref<64x256xf32, #tpu.memory_space<vmem>>, vector<1x16xf32>,
        %swap3A_301 = vector.shape_cast %swap3A_300 : vector<1x16xf32> to vector<16xf32>
        %swap3A_302 = vector.shape_cast %add3A_298 : vector<16xf32> to vector<1x16xf32>
        tpu.vector_store %arg6[%swap3A, %swap3A_299], %swap3A_302 {strides = array<i32>} : memref<64x256xf32, #tpu.memory_space<vmem>>, vector<1x16xf32>,
        %get3A_303 = arith.index_cast %scan3A_289 : i32 to index
        %get3A_304 = arith.constant 16 : index
        %get3A_305 = tpu.vector_load %arg6[%get3A_303, %get3A_304] {strides = array<i32>} : memref<64x256xf32, #tpu.memory_space<vmem>>, vector<1x16xf32>,
        %get3A_306 = vector.shape_cast %get3A_305 : vector<1x16xf32> to vector<16xf32>
        %add3A_307 = arith.addi %mul3A_130, %scan3A_289 : i32
        %get3A_308 = arith.index_cast %add3A_307 : i32 to index
        %get3A_309 = arith.constant 16 : index
        %get3A_310 = tpu.vector_load %arg5[%get3A_308, %get3A_309] {strides = array<i32>} : memref<64x256xf32, #tpu.memory_space<vmem>>, vector<1x16xf32>,
        %get3A_311 = vector.shape_cast %get3A_310 : vector<1x16xf32> to vector<16xf32>
        %add3A_312 = arith.addf %get3A_306, %get3A_311 : vector<16xf32>
        %swap3A_313 = arith.index_cast %scan3A_289 : i32 to index
        %swap3A_314 = arith.constant 16 : index
        %swap3A_315 = tpu.vector_load %arg6[%swap3A_313, %swap3A_314] {strides = array<i32>} : memref<64x256xf32, #tpu.memory_space<vmem>>, vector<1x16xf32>,
        %swap3A_316 = vector.shape_cast %swap3A_315 : vector<1x16xf32> to vector<16xf32>
        %swap3A_317 = vector.shape_cast %add3A_312 : vector<16xf32> to vector<1x16xf32>
        tpu.vector_store %arg6[%swap3A_313, %swap3A_314], %swap3A_317 {strides = array<i32>} : memref<64x256xf32, #tpu.memory_space<vmem>>, vector<1x16xf32>,
        %get3A_318 = arith.index_cast %scan3A_289 : i32 to index
        %get3A_319 = arith.constant 32 : index
        %get3A_320 = tpu.vector_load %arg6[%get3A_318, %get3A_319] {strides = array<i32>} : memref<64x256xf32, #tpu.memory_space<vmem>>, vector<1x16xf32>,
        %get3A_321 = vector.shape_cast %get3A_320 : vector<1x16xf32> to vector<16xf32>
        %add3A_322 = arith.addi %mul3A_130, %scan3A_289 : i32
        %get3A_323 = arith.index_cast %add3A_322 : i32 to index
        %get3A_324 = arith.constant 32 : index
        %get3A_325 = tpu.vector_load %arg5[%get3A_323, %get3A_324] {strides = array<i32>} : memref<64x256xf32, #tpu.memory_space<vmem>>, vector<1x16xf32>,
        %get3A_326 = vector.shape_cast %get3A_325 : vector<1x16xf32> to vector<16xf32>
        %add3A_327 = arith.addf %get3A_321, %get3A_326 : vector<16xf32>
        %swap3A_328 = arith.index_cast %scan3A_289 : i32 to index
        %swap3A_329 = arith.constant 32 : index
        %swap3A_330 = tpu.vector_load %arg6[%swap3A_328, %swap3A_329] {strides = array<i32>} : memref<64x256xf32, #tpu.memory_space<vmem>>, vector<1x16xf32>,
        %swap3A_331 = vector.shape_cast %swap3A_330 : vector<1x16xf32> to vector<16xf32>
        %swap3A_332 = vector.shape_cast %add3A_327 : vector<16xf32> to vector<1x16xf32>
        tpu.vector_store %arg6[%swap3A_328, %swap3A_329], %swap3A_332 {strides = array<i32>} : memref<64x256xf32, #tpu.memory_space<vmem>>, vector<1x16xf32>,
        %get3A_333 = arith.index_cast %scan3A_289 : i32 to index
        %get3A_334 = arith.constant 48 : index
        %get3A_335 = tpu.vector_load %arg6[%get3A_333, %get3A_334] {strides = array<i32>} : memref<64x256xf32, #tpu.memory_space<vmem>>, vector<1x16xf32>,
        %get3A_336 = vector.shape_cast %get3A_335 : vector<1x16xf32> to vector<16xf32>
        %add3A_337 = arith.addi %mul3A_130, %scan3A_289 : i32
        %get3A_338 = arith.index_cast %add3A_337 : i32 to index
        %get3A_339 = arith.constant 48 : index
        %get3A_340 = tpu.vector_load %arg5[%get3A_338, %get3A_339] {strides = array<i32>} : memref<64x256xf32, #tpu.memory_space<vmem>>, vector<1x16xf32>,
        %get3A_341 = vector.shape_cast %get3A_340 : vector<1x16xf32> to vector<16xf32>
        %add3A_342 = arith.addf %get3A_336, %get3A_341 : vector<16xf32>
        %swap3A_343 = arith.index_cast %scan3A_289 : i32 to index
        %swap3A_344 = arith.constant 48 : index
        %swap3A_345 = tpu.vector_load %arg6[%swap3A_343, %swap3A_344] {strides = array<i32>} : memref<64x256xf32, #tpu.memory_space<vmem>>, vector<1x16xf32>,
        %swap3A_346 = vector.shape_cast %swap3A_345 : vector<1x16xf32> to vector<16xf32>
        %swap3A_347 = vector.shape_cast %add3A_342 : vector<16xf32> to vector<1x16xf32>
        tpu.vector_store %arg6[%swap3A_343, %swap3A_344], %swap3A_347 {strides = array<i32>} : memref<64x256xf32, #tpu.memory_space<vmem>>, vector<1x16xf32>,
        %get3A_348 = arith.index_cast %scan3A_289 : i32 to index
        %get3A_349 = arith.constant 64 : index
        %get3A_350 = tpu.vector_load %arg6[%get3A_348, %get3A_349] {strides = array<i32>} : memref<64x256xf32, #tpu.memory_space<vmem>>, vector<1x16xf32>,
        %get3A_351 = vector.shape_cast %get3A_350 : vector<1x16xf32> to vector<16xf32>
        %add3A_352 = arith.addi %mul3A_130, %scan3A_289 : i32
        %get3A_353 = arith.index_cast %add3A_352 : i32 to index
        %get3A_354 = arith.constant 64 : index
        %get3A_355 = tpu.vector_load %arg5[%get3A_353, %get3A_354] {strides = array<i32>} : memref<64x256xf32, #tpu.memory_space<vmem>>, vector<1x16xf32>,
        %get3A_356 = vector.shape_cast %get3A_355 : vector<1x16xf32> to vector<16xf32>
        %add3A_357 = arith.addf %get3A_351, %get3A_356 : vector<16xf32>
        %swap3A_358 = arith.index_cast %scan3A_289 : i32 to index
        %swap3A_359 = arith.constant 64 : index
        %swap3A_360 = tpu.vector_load %arg6[%swap3A_358, %swap3A_359] {strides = array<i32>} : memref<64x256xf32, #tpu.memory_space<vmem>>, vector<1x16xf32>,
        %swap3A_361 = vector.shape_cast %swap3A_360 : vector<1x16xf32> to vector<16xf32>
        %swap3A_362 = vector.shape_cast %add3A_357 : vector<16xf32> to vector<1x16xf32>
        tpu.vector_store %arg6[%swap3A_358, %swap3A_359], %swap3A_362 {strides = array<i32>} : memref<64x256xf32, #tpu.memory_space<vmem>>, vector<1x16xf32>,
        %get3A_363 = arith.index_cast %scan3A_289 : i32 to index
        %get3A_364 = arith.constant 80 : index
        %get3A_365 = tpu.vector_load %arg6[%get3A_363, %get3A_364] {strides = array<i32>} : memref<64x256xf32, #tpu.memory_space<vmem>>, vector<1x16xf32>,
        %get3A_366 = vector.shape_cast %get3A_365 : vector<1x16xf32> to vector<16xf32>
        %add3A_367 = arith.addi %mul3A_130, %scan3A_289 : i32
        %get3A_368 = arith.index_cast %add3A_367 : i32 to index
        %get3A_369 = arith.constant 80 : index
        %get3A_370 = tpu.vector_load %arg5[%get3A_368, %get3A_369] {strides = array<i32>} : memref<64x256xf32, #tpu.memory_space<vmem>>, vector<1x16xf32>,
        %get3A_371 = vector.shape_cast %get3A_370 : vector<1x16xf32> to vector<16xf32>
        %add3A_372 = arith.addf %get3A_366, %get3A_371 : vector<16xf32>
        %swap3A_373 = arith.index_cast %scan3A_289 : i32 to index
        %swap3A_374 = arith.constant 80 : index
        %swap3A_375 = tpu.vector_load %arg6[%swap3A_373, %swap3A_374] {strides = array<i32>} : memref<64x256xf32, #tpu.memory_space<vmem>>, vector<1x16xf32>,
        %swap3A_376 = vector.shape_cast %swap3A_375 : vector<1x16xf32> to vector<16xf32>
        %swap3A_377 = vector.shape_cast %add3A_372 : vector<16xf32> to vector<1x16xf32>
        tpu.vector_store %arg6[%swap3A_373, %swap3A_374], %swap3A_377 {strides = array<i32>} : memref<64x256xf32, #tpu.memory_space<vmem>>, vector<1x16xf32>,
        %get3A_378 = arith.index_cast %scan3A_289 : i32 to index
        %get3A_379 = arith.constant 96 : index
        %get3A_380 = tpu.vector_load %arg6[%get3A_378, %get3A_379] {strides = array<i32>} : memref<64x256xf32, #tpu.memory_space<vmem>>, vector<1x16xf32>,
        %get3A_381 = vector.shape_cast %get3A_380 : vector<1x16xf32> to vector<16xf32>
        %add3A_382 = arith.addi %mul3A_130, %scan3A_289 : i32
        %get3A_383 = arith.index_cast %add3A_382 : i32 to index
        %get3A_384 = arith.constant 96 : index
        %get3A_385 = tpu.vector_load %arg5[%get3A_383, %get3A_384] {strides = array<i32>} : memref<64x256xf32, #tpu.memory_space<vmem>>, vector<1x16xf32>,
        %get3A_386 = vector.shape_cast %get3A_385 : vector<1x16xf32> to vector<16xf32>
        %add3A_387 = arith.addf %get3A_381, %get3A_386 : vector<16xf32>
        %swap3A_388 = arith.index_cast %scan3A_289 : i32 to index
        %swap3A_389 = arith.constant 96 : index
        %swap3A_390 = tpu.vector_load %arg6[%swap3A_388, %swap3A_389] {strides = array<i32>} : memref<64x256xf32, #tpu.memory_space<vmem>>, vector<1x16xf32>,
        %swap3A_391 = vector.shape_cast %swap3A_390 : vector<1x16xf32> to vector<16xf32>
        %swap3A_392 = vector.shape_cast %add3A_387 : vector<16xf32> to vector<1x16xf32>
        tpu.vector_store %arg6[%swap3A_388, %swap3A_389], %swap3A_392 {strides = array<i32>} : memref<64x256xf32, #tpu.memory_space<vmem>>, vector<1x16xf32>,
        %get3A_393 = arith.index_cast %scan3A_289 : i32 to index
        %get3A_394 = arith.constant 112 : index
        %get3A_395 = tpu.vector_load %arg6[%get3A_393, %get3A_394] {strides = array<i32>} : memref<64x256xf32, #tpu.memory_space<vmem>>, vector<1x16xf32>,
        %get3A_396 = vector.shape_cast %get3A_395 : vector<1x16xf32> to vector<16xf32>
        %add3A_397 = arith.addi %mul3A_130, %scan3A_289 : i32
        %get3A_398 = arith.index_cast %add3A_397 : i32 to index
        %get3A_399 = arith.constant 112 : index
        %get3A_400 = tpu.vector_load %arg5[%get3A_398, %get3A_399] {strides = array<i32>} : memref<64x256xf32, #tpu.memory_space<vmem>>, vector<1x16xf32>,
        %get3A_401 = vector.shape_cast %get3A_400 : vector<1x16xf32> to vector<16xf32>
        %add3A_402 = arith.addf %get3A_396, %get3A_401 : vector<16xf32>
        %swap3A_403 = arith.index_cast %scan3A_289 : i32 to index
        %swap3A_404 = arith.constant 112 : index
        %swap3A_405 = tpu.vector_load %arg6[%swap3A_403, %swap3A_404] {strides = array<i32>} : memref<64x256xf32, #tpu.memory_space<vmem>>, vector<1x16xf32>,
        %swap3A_406 = vector.shape_cast %swap3A_405 : vector<1x16xf32> to vector<16xf32>
        %swap3A_407 = vector.shape_cast %add3A_402 : vector<16xf32> to vector<1x16xf32>
        tpu.vector_store %arg6[%swap3A_403, %swap3A_404], %swap3A_407 {strides = array<i32>} : memref<64x256xf32, #tpu.memory_space<vmem>>, vector<1x16xf32>,
        %get3A_408 = arith.index_cast %scan3A_289 : i32 to index
        %get3A_409 = arith.constant 128 : index
        %get3A_410 = tpu.vector_load %arg6[%get3A_408, %get3A_409] {strides = array<i32>} : memref<64x256xf32, #tpu.memory_space<vmem>>, vector<1x16xf32>,
        %get3A_411 = vector.shape_cast %get3A_410 : vector<1x16xf32> to vector<16xf32>
        %add3A_412 = arith.addi %mul3A_130, %scan3A_289 : i32
        %get3A_413 = arith.index_cast %add3A_412 : i32 to index
        %get3A_414 = arith.constant 128 : index
        %get3A_415 = tpu.vector_load %arg5[%get3A_413, %get3A_414] {strides = array<i32>} : memref<64x256xf32, #tpu.memory_space<vmem>>, vector<1x16xf32>,
        %get3A_416 = vector.shape_cast %get3A_415 : vector<1x16xf32> to vector<16xf32>
        %add3A_417 = arith.addf %get3A_411, %get3A_416 : vector<16xf32>
        %swap3A_418 = arith.index_cast %scan3A_289 : i32 to index
        %swap3A_419 = arith.constant 128 : index
        %swap3A_420 = tpu.vector_load %arg6[%swap3A_418, %swap3A_419] {strides = array<i32>} : memref<64x256xf32, #tpu.memory_space<vmem>>, vector<1x16xf32>,
        %swap3A_421 = vector.shape_cast %swap3A_420 : vector<1x16xf32> to vector<16xf32>
        %swap3A_422 = vector.shape_cast %add3A_417 : vector<16xf32> to vector<1x16xf32>
        tpu.vector_store %arg6[%swap3A_418, %swap3A_419], %swap3A_422 {strides = array<i32>} : memref<64x256xf32, #tpu.memory_space<vmem>>, vector<1x16xf32>,
        %get3A_423 = arith.index_cast %scan3A_289 : i32 to index
        %get3A_424 = arith.constant 144 : index
        %get3A_425 = tpu.vector_load %arg6[%get3A_423, %get3A_424] {strides = array<i32>} : memref<64x256xf32, #tpu.memory_space<vmem>>, vector<1x16xf32>,
        %get3A_426 = vector.shape_cast %get3A_425 : vector<1x16xf32> to vector<16xf32>
        %add3A_427 = arith.addi %mul3A_130, %scan3A_289 : i32
        %get3A_428 = arith.index_cast %add3A_427 : i32 to index
        %get3A_429 = arith.constant 144 : index
        %get3A_430 = tpu.vector_load %arg5[%get3A_428, %get3A_429] {strides = array<i32>} : memref<64x256xf32, #tpu.memory_space<vmem>>, vector<1x16xf32>,
        %get3A_431 = vector.shape_cast %get3A_430 : vector<1x16xf32> to vector<16xf32>
        %add3A_432 = arith.addf %get3A_426, %get3A_431 : vector<16xf32>
        %swap3A_433 = arith.index_cast %scan3A_289 : i32 to index
        %swap3A_434 = arith.constant 144 : index
        %swap3A_435 = tpu.vector_load %arg6[%swap3A_433, %swap3A_434] {strides = array<i32>} : memref<64x256xf32, #tpu.memory_space<vmem>>, vector<1x16xf32>,
        %swap3A_436 = vector.shape_cast %swap3A_435 : vector<1x16xf32> to vector<16xf32>
        %swap3A_437 = vector.shape_cast %add3A_432 : vector<16xf32> to vector<1x16xf32>
        tpu.vector_store %arg6[%swap3A_433, %swap3A_434], %swap3A_437 {strides = array<i32>} : memref<64x256xf32, #tpu.memory_space<vmem>>, vector<1x16xf32>,
        %get3A_438 = arith.index_cast %scan3A_289 : i32 to index
        %get3A_439 = arith.constant 160 : index
        %get3A_440 = tpu.vector_load %arg6[%get3A_438, %get3A_439] {strides = array<i32>} : memref<64x256xf32, #tpu.memory_space<vmem>>, vector<1x16xf32>,
        %get3A_441 = vector.shape_cast %get3A_440 : vector<1x16xf32> to vector<16xf32>
        %add3A_442 = arith.addi %mul3A_130, %scan3A_289 : i32
        %get3A_443 = arith.index_cast %add3A_442 : i32 to index
        %get3A_444 = arith.constant 160 : index
        %get3A_445 = tpu.vector_load %arg5[%get3A_443, %get3A_444] {strides = array<i32>} : memref<64x256xf32, #tpu.memory_space<vmem>>, vector<1x16xf32>,
        %get3A_446 = vector.shape_cast %get3A_445 : vector<1x16xf32> to vector<16xf32>
        %add3A_447 = arith.addf %get3A_441, %get3A_446 : vector<16xf32>
        %swap3A_448 = arith.index_cast %scan3A_289 : i32 to index
        %swap3A_449 = arith.constant 160 : index
        %swap3A_450 = tpu.vector_load %arg6[%swap3A_448, %swap3A_449] {strides = array<i32>} : memref<64x256xf32, #tpu.memory_space<vmem>>, vector<1x16xf32>,
        %swap3A_451 = vector.shape_cast %swap3A_450 : vector<1x16xf32> to vector<16xf32>
        %swap3A_452 = vector.shape_cast %add3A_447 : vector<16xf32> to vector<1x16xf32>
        tpu.vector_store %arg6[%swap3A_448, %swap3A_449], %swap3A_452 {strides = array<i32>} : memref<64x256xf32, #tpu.memory_space<vmem>>, vector<1x16xf32>,
        %get3A_453 = arith.index_cast %scan3A_289 : i32 to index
        %get3A_454 = arith.constant 176 : index
        %get3A_455 = tpu.vector_load %arg6[%get3A_453, %get3A_454] {strides = array<i32>} : memref<64x256xf32, #tpu.memory_space<vmem>>, vector<1x16xf32>,
        %get3A_456 = vector.shape_cast %get3A_455 : vector<1x16xf32> to vector<16xf32>
        %add3A_457 = arith.addi %mul3A_130, %scan3A_289 : i32
        %get3A_458 = arith.index_cast %add3A_457 : i32 to index
        %get3A_459 = arith.constant 176 : index
        %get3A_460 = tpu.vector_load %arg5[%get3A_458, %get3A_459] {strides = array<i32>} : memref<64x256xf32, #tpu.memory_space<vmem>>, vector<1x16xf32>,
        %get3A_461 = vector.shape_cast %get3A_460 : vector<1x16xf32> to vector<16xf32>
        %add3A_462 = arith.addf %get3A_456, %get3A_461 : vector<16xf32>
        %swap3A_463 = arith.index_cast %scan3A_289 : i32 to index
        %swap3A_464 = arith.constant 176 : index
        %swap3A_465 = tpu.vector_load %arg6[%swap3A_463, %swap3A_464] {strides = array<i32>} : memref<64x256xf32, #tpu.memory_space<vmem>>, vector<1x16xf32>,
        %swap3A_466 = vector.shape_cast %swap3A_465 : vector<1x16xf32> to vector<16xf32>
        %swap3A_467 = vector.shape_cast %add3A_462 : vector<16xf32> to vector<1x16xf32>
        tpu.vector_store %arg6[%swap3A_463, %swap3A_464], %swap3A_467 {strides = array<i32>} : memref<64x256xf32, #tpu.memory_space<vmem>>, vector<1x16xf32>,
        %get3A_468 = arith.index_cast %scan3A_289 : i32 to index
        %get3A_469 = arith.constant 192 : index
        %get3A_470 = tpu.vector_load %arg6[%get3A_468, %get3A_469] {strides = array<i32>} : memref<64x256xf32, #tpu.memory_space<vmem>>, vector<1x16xf32>,
        %get3A_471 = vector.shape_cast %get3A_470 : vector<1x16xf32> to vector<16xf32>
        %add3A_472 = arith.addi %mul3A_130, %scan3A_289 : i32
        %get3A_473 = arith.index_cast %add3A_472 : i32 to index
        %get3A_474 = arith.constant 192 : index
        %get3A_475 = tpu.vector_load %arg5[%get3A_473, %get3A_474] {strides = array<i32>} : memref<64x256xf32, #tpu.memory_space<vmem>>, vector<1x16xf32>,
        %get3A_476 = vector.shape_cast %get3A_475 : vector<1x16xf32> to vector<16xf32>
        %add3A_477 = arith.addf %get3A_471, %get3A_476 : vector<16xf32>
        %swap3A_478 = arith.index_cast %scan3A_289 : i32 to index
        %swap3A_479 = arith.constant 192 : index
        %swap3A_480 = tpu.vector_load %arg6[%swap3A_478, %swap3A_479] {strides = array<i32>} : memref<64x256xf32, #tpu.memory_space<vmem>>, vector<1x16xf32>,
        %swap3A_481 = vector.shape_cast %swap3A_480 : vector<1x16xf32> to vector<16xf32>
        %swap3A_482 = vector.shape_cast %add3A_477 : vector<16xf32> to vector<1x16xf32>
        tpu.vector_store %arg6[%swap3A_478, %swap3A_479], %swap3A_482 {strides = array<i32>} : memref<64x256xf32, #tpu.memory_space<vmem>>, vector<1x16xf32>,
        %get3A_483 = arith.index_cast %scan3A_289 : i32 to index
        %get3A_484 = arith.constant 208 : index
        %get3A_485 = tpu.vector_load %arg6[%get3A_483, %get3A_484] {strides = array<i32>} : memref<64x256xf32, #tpu.memory_space<vmem>>, vector<1x16xf32>,
        %get3A_486 = vector.shape_cast %get3A_485 : vector<1x16xf32> to vector<16xf32>
        %add3A_487 = arith.addi %mul3A_130, %scan3A_289 : i32
        %get3A_488 = arith.index_cast %add3A_487 : i32 to index
        %get3A_489 = arith.constant 208 : index
        %get3A_490 = tpu.vector_load %arg5[%get3A_488, %get3A_489] {strides = array<i32>} : memref<64x256xf32, #tpu.memory_space<vmem>>, vector<1x16xf32>,
        %get3A_491 = vector.shape_cast %get3A_490 : vector<1x16xf32> to vector<16xf32>
        %add3A_492 = arith.addf %get3A_486, %get3A_491 : vector<16xf32>
        %swap3A_493 = arith.index_cast %scan3A_289 : i32 to index
        %swap3A_494 = arith.constant 208 : index
        %swap3A_495 = tpu.vector_load %arg6[%swap3A_493, %swap3A_494] {strides = array<i32>} : memref<64x256xf32, #tpu.memory_space<vmem>>, vector<1x16xf32>,
        %swap3A_496 = vector.shape_cast %swap3A_495 : vector<1x16xf32> to vector<16xf32>
        %swap3A_497 = vector.shape_cast %add3A_492 : vector<16xf32> to vector<1x16xf32>
        tpu.vector_store %arg6[%swap3A_493, %swap3A_494], %swap3A_497 {strides = array<i32>} : memref<64x256xf32, #tpu.memory_space<vmem>>, vector<1x16xf32>,
        %get3A_498 = arith.index_cast %scan3A_289 : i32 to index
        %get3A_499 = arith.constant 224 : index
        %get3A_500 = tpu.vector_load %arg6[%get3A_498, %get3A_499] {strides = array<i32>} : memref<64x256xf32, #tpu.memory_space<vmem>>, vector<1x16xf32>,
        %get3A_501 = vector.shape_cast %get3A_500 : vector<1x16xf32> to vector<16xf32>
        %add3A_502 = arith.addi %mul3A_130, %scan3A_289 : i32
        %get3A_503 = arith.index_cast %add3A_502 : i32 to index
        %get3A_504 = arith.constant 224 : index
        %get3A_505 = tpu.vector_load %arg5[%get3A_503, %get3A_504] {strides = array<i32>} : memref<64x256xf32, #tpu.memory_space<vmem>>, vector<1x16xf32>,
        %get3A_506 = vector.shape_cast %get3A_505 : vector<1x16xf32> to vector<16xf32>
        %add3A_507 = arith.addf %get3A_501, %get3A_506 : vector<16xf32>
        %swap3A_508 = arith.index_cast %scan3A_289 : i32 to index
        %swap3A_509 = arith.constant 224 : index
        %swap3A_510 = tpu.vector_load %arg6[%swap3A_508, %swap3A_509] {strides = array<i32>} : memref<64x256xf32, #tpu.memory_space<vmem>>, vector<1x16xf32>,
        %swap3A_511 = vector.shape_cast %swap3A_510 : vector<1x16xf32> to vector<16xf32>
        %swap3A_512 = vector.shape_cast %add3A_507 : vector<16xf32> to vector<1x16xf32>
        tpu.vector_store %arg6[%swap3A_508, %swap3A_509], %swap3A_512 {strides = array<i32>} : memref<64x256xf32, #tpu.memory_space<vmem>>, vector<1x16xf32>,
        %get3A_513 = arith.index_cast %scan3A_289 : i32 to index
        %get3A_514 = arith.constant 240 : index
        %get3A_515 = tpu.vector_load %arg6[%get3A_513, %get3A_514] {strides = array<i32>} : memref<64x256xf32, #tpu.memory_space<vmem>>, vector<1x16xf32>,
        %get3A_516 = vector.shape_cast %get3A_515 : vector<1x16xf32> to vector<16xf32>
        %add3A_517 = arith.addi %mul3A_130, %scan3A_289 : i32
        %get3A_518 = arith.index_cast %add3A_517 : i32 to index
        %get3A_519 = arith.constant 240 : index
        %get3A_520 = tpu.vector_load %arg5[%get3A_518, %get3A_519] {strides = array<i32>} : memref<64x256xf32, #tpu.memory_space<vmem>>, vector<1x16xf32>,
        %get3A_521 = vector.shape_cast %get3A_520 : vector<1x16xf32> to vector<16xf32>
        %add3A_522 = arith.addf %get3A_516, %get3A_521 : vector<16xf32>
        %swap3A_523 = arith.index_cast %scan3A_289 : i32 to index
        %swap3A_524 = arith.constant 240 : index
        %swap3A_525 = tpu.vector_load %arg6[%swap3A_523, %swap3A_524] {strides = array<i32>} : memref<64x256xf32, #tpu.memory_space<vmem>>, vector<1x16xf32>,
        %swap3A_526 = vector.shape_cast %swap3A_525 : vector<1x16xf32> to vector<16xf32>
        %swap3A_527 = vector.shape_cast %add3A_522 : vector<16xf32> to vector<1x16xf32>
        tpu.vector_store %arg6[%swap3A_523, %swap3A_524], %swap3A_527 {strides = array<i32>} : memref<64x256xf32, #tpu.memory_space<vmem>>, vector<1x16xf32>,
      }
      %scan3A_136 = arith.constant 64 : i32
      %mul3A_137 = arith.constant 128 : i32
      %mul3A_138 = arith.muli %div3A_1, %mul3A_137 : i32
      %div3A_139 = arith.constant 1 : i32
      %div3A_140 = arith.divsi %add3A_120, %div3A_139 : i32
      %add3A_141 = arith.addi %mul3A_138, %div3A_140 : i32
      %mul3A_142 = arith.constant 256 : i32
      %mul3A_143 = arith.muli %add3A_141, %mul3A_142 : i32
      %mul3A_144 = arith.constant 64 : i32
      %mul3A_145 = arith.muli %rem3A_2, %mul3A_144 : i32
      %add3A_146 = arith.addi %mul3A_143, %mul3A_145 : i32
      %rem3A_147 = arith.constant 1 : i32
      %rem3A_148 = arith.remsi %add3A_120, %rem3A_147 : i32
      %mul3A_149 = arith.constant 64 : i32
      %mul3A_150 = arith.muli %rem3A_148, %mul3A_149 : i32
      %add3A_151 = arith.addi %add3A_146, %mul3A_150 : i32
      %dma_start3A_152 = arith.constant 0 : i32
      %dma_start3A_153 = tpu.memref_slice %arg4[%add3A_151, %dma_start3A_152] : memref<262144x256xf32, #tpu.memory_space<hbm>> -> memref<64x256xf32, #tpu.memory_space<hbm>>
      %dma_start3A_154 = arith.constant 0 : i32
      %dma_start3A_155 = tpu.memref_slice %arg4[%add3A_151, %dma_start3A_154] : memref<262144x256xf32, #tpu.memory_space<hbm>> -> memref<64x256xf32, #tpu.memory_space<hbm>>
      tpu.enqueue_dma source(%arg6 : memref<64x256xf32, #tpu.memory_space<vmem>>) target(%dma_start3A_155 : memref<64x256xf32, #tpu.memory_space<hbm>>) target_semaphore(%arg14 : memref<!tpu.dma_semaphore, #tpu.memory_space<semaphore_mem>>)
      %gt3A = arith.constant 0 : i32
      %gt3A_156 = arith.cmpi sgt, %scan3A_116, %gt3A : i32
      %convert_element_type3A = arith.extui %gt3A_156 : i1 to i32
      %cond3A = arith.constant 0 : i32
      %cond3A_157 = arith.cmpi ne, %convert_element_type3A, %cond3A : i32
      scf.if %cond3A_157 {
        %dma_wait3A_289 = arith.constant 0 : i32
        %dma_wait3A_290 = arith.constant 0 : i32
        %dma_wait3A_291 = tpu.memref_slice %arg4[%dma_wait3A_289, %dma_wait3A_290] : memref<262144x256xf32, #tpu.memory_space<hbm>> -> memref<64x256xf32, #tpu.memory_space<hbm>>
        %dma_wait3A_292 = arith.constant 0 : i32
        %dma_wait3A_293 = arith.constant 0 : i32
        %dma_wait3A_294 = tpu.memref_slice %arg4[%dma_wait3A_292, %dma_wait3A_293] : memref<262144x256xf32, #tpu.memory_space<hbm>> -> memref<64x256xf32, #tpu.memory_space<hbm>>
        tpu.wait_dma2 semaphore(%arg16 : memref<!tpu.dma_semaphore, #tpu.memory_space<semaphore_mem>>) src(%arg8 : memref<64x256xf32, #tpu.memory_space<vmem>>) dst(%dma_wait3A_294 : memref<64x256xf32, #tpu.memory_space<hbm>>)
        %add3A_295 = arith.constant 2 : i32
        %add3A_296 = arith.addi %add3A_120, %add3A_295 : i32
        %mul3A_297 = arith.constant 128 : i32
        %mul3A_298 = arith.muli %div3A_1, %mul3A_297 : i32
        %div3A_299 = arith.constant 1 : i32
        %div3A_300 = arith.divsi %add3A_296, %div3A_299 : i32
        %add3A_301 = arith.addi %mul3A_298, %div3A_300 : i32
        %mul3A_302 = arith.constant 256 : i32
        %mul3A_303 = arith.muli %add3A_301, %mul3A_302 : i32
        %mul3A_304 = arith.constant 64 : i32
        %mul3A_305 = arith.muli %rem3A_2, %mul3A_304 : i32
        %add3A_306 = arith.addi %mul3A_303, %mul3A_305 : i32
        %rem3A_307 = arith.constant 1 : i32
        %rem3A_308 = arith.remsi %add3A_296, %rem3A_307 : i32
        %mul3A_309 = arith.constant 64 : i32
        %mul3A_310 = arith.muli %rem3A_308, %mul3A_309 : i32
        %add3A_311 = arith.addi %add3A_306, %mul3A_310 : i32
        %dma_start3A_312 = arith.constant 0 : i32
        %dma_start3A_313 = tpu.memref_slice %arg2[%add3A_311, %dma_start3A_312] : memref<262144x256xf32, #tpu.memory_space<hbm>> -> memref<64x256xf32, #tpu.memory_space<hbm>>
        %dma_start3A_314 = arith.constant 0 : i32
        %dma_start3A_315 = tpu.memref_slice %arg2[%add3A_311, %dma_start3A_314] : memref<262144x256xf32, #tpu.memory_space<hbm>> -> memref<64x256xf32, #tpu.memory_space<hbm>>
        tpu.enqueue_dma source(%dma_start3A_315 : memref<64x256xf32, #tpu.memory_space<hbm>>) target(%arg8 : memref<64x256xf32, #tpu.memory_space<vmem>>) target_semaphore(%arg12 : memref<!tpu.dma_semaphore, #tpu.memory_space<semaphore_mem>>)
      } else {
      }
      %mul3A_158 = arith.constant 4 : i32
      %mul3A_159 = arith.muli %scan3A_116, %mul3A_158 : i32
      %add3A_160 = arith.constant 1 : i32
      %add3A_161 = arith.addi %mul3A_159, %add3A_160 : i32
      %dma_wait3A_162 = arith.constant 0 : i32
      %dma_wait3A_163 = arith.constant 0 : i32
      %dma_wait3A_164 = tpu.memref_slice %arg2[%dma_wait3A_162, %dma_wait3A_163] : memref<262144x256xf32, #tpu.memory_space<hbm>> -> memref<64x256xf32, #tpu.memory_space<hbm>>
      %dma_wait3A_165 = arith.constant 0 : i32
      %dma_wait3A_166 = arith.constant 0 : i32
      %dma_wait3A_167 = tpu.memref_slice %arg2[%dma_wait3A_165, %dma_wait3A_166] : memref<262144x256xf32, #tpu.memory_space<hbm>> -> memref<64x256xf32, #tpu.memory_space<hbm>>
      tpu.wait_dma2 semaphore(%arg11 : memref<!tpu.dma_semaphore, #tpu.memory_space<semaphore_mem>>) src(%dma_wait3A_167 : memref<64x256xf32, #tpu.memory_space<hbm>>) dst(%arg7 : memref<64x256xf32, #tpu.memory_space<vmem>>)
      %rem3A_168 = arith.constant 1 : i32
      %rem3A_169 = arith.remsi %add3A_161, %rem3A_168 : i32
      %mul3A_170 = arith.constant 64 : i32
      %mul3A_171 = arith.muli %rem3A_169, %mul3A_170 : i32
      %scan3A_172 = arith.constant 0 : i32
      %scan3A_173 = arith.constant 0 : i32
      %scan3A_174 = arith.constant 64 : i32
      %scan3A_175 = arith.addi %scan3A_173, %scan3A_174 : i32
      %scan3A_176 = arith.constant 1 : i32
      scf.for %scan3A_289 = %scan3A_173 to %scan3A_175 step %scan3A_176  : i32 {
        %get3A = arith.index_cast %scan3A_289 : i32 to index
        %get3A_290 = arith.constant 0 : index
        %get3A_291 = tpu.vector_load %arg7[%get3A, %get3A_290] {strides = array<i32>} : memref<64x256xf32, #tpu.memory_space<vmem>>, vector<1x16xf32>,
        %get3A_292 = vector.shape_cast %get3A_291 : vector<1x16xf32> to vector<16xf32>
        %add3A_293 = arith.addi %mul3A_171, %scan3A_289 : i32
        %get3A_294 = arith.index_cast %add3A_293 : i32 to index
        %get3A_295 = arith.constant 0 : index
        %get3A_296 = tpu.vector_load %arg5[%get3A_294, %get3A_295] {strides = array<i32>} : memref<64x256xf32, #tpu.memory_space<vmem>>, vector<1x16xf32>,
        %get3A_297 = vector.shape_cast %get3A_296 : vector<1x16xf32> to vector<16xf32>
        %add3A_298 = arith.addf %get3A_292, %get3A_297 : vector<16xf32>
        %swap3A = arith.index_cast %scan3A_289 : i32 to index
        %swap3A_299 = arith.constant 0 : index
        %swap3A_300 = tpu.vector_load %arg7[%swap3A, %swap3A_299] {strides = array<i32>} : memref<64x256xf32, #tpu.memory_space<vmem>>, vector<1x16xf32>,
        %swap3A_301 = vector.shape_cast %swap3A_300 : vector<1x16xf32> to vector<16xf32>
        %swap3A_302 = vector.shape_cast %add3A_298 : vector<16xf32> to vector<1x16xf32>
        tpu.vector_store %arg7[%swap3A, %swap3A_299], %swap3A_302 {strides = array<i32>} : memref<64x256xf32, #tpu.memory_space<vmem>>, vector<1x16xf32>,
        %get3A_303 = arith.index_cast %scan3A_289 : i32 to index
        %get3A_304 = arith.constant 16 : index
        %get3A_305 = tpu.vector_load %arg7[%get3A_303, %get3A_304] {strides = array<i32>} : memref<64x256xf32, #tpu.memory_space<vmem>>, vector<1x16xf32>,
        %get3A_306 = vector.shape_cast %get3A_305 : vector<1x16xf32> to vector<16xf32>
        %add3A_307 = arith.addi %mul3A_171, %scan3A_289 : i32
        %get3A_308 = arith.index_cast %add3A_307 : i32 to index
        %get3A_309 = arith.constant 16 : index
        %get3A_310 = tpu.vector_load %arg5[%get3A_308, %get3A_309] {strides = array<i32>} : memref<64x256xf32, #tpu.memory_space<vmem>>, vector<1x16xf32>,
        %get3A_311 = vector.shape_cast %get3A_310 : vector<1x16xf32> to vector<16xf32>
        %add3A_312 = arith.addf %get3A_306, %get3A_311 : vector<16xf32>
        %swap3A_313 = arith.index_cast %scan3A_289 : i32 to index
        %swap3A_314 = arith.constant 16 : index
        %swap3A_315 = tpu.vector_load %arg7[%swap3A_313, %swap3A_314] {strides = array<i32>} : memref<64x256xf32, #tpu.memory_space<vmem>>, vector<1x16xf32>,
        %swap3A_316 = vector.shape_cast %swap3A_315 : vector<1x16xf32> to vector<16xf32>
        %swap3A_317 = vector.shape_cast %add3A_312 : vector<16xf32> to vector<1x16xf32>
        tpu.vector_store %arg7[%swap3A_313, %swap3A_314], %swap3A_317 {strides = array<i32>} : memref<64x256xf32, #tpu.memory_space<vmem>>, vector<1x16xf32>,
        %get3A_318 = arith.index_cast %scan3A_289 : i32 to index
        %get3A_319 = arith.constant 32 : index
        %get3A_320 = tpu.vector_load %arg7[%get3A_318, %get3A_319] {strides = array<i32>} : memref<64x256xf32, #tpu.memory_space<vmem>>, vector<1x16xf32>,
        %get3A_321 = vector.shape_cast %get3A_320 : vector<1x16xf32> to vector<16xf32>
        %add3A_322 = arith.addi %mul3A_171, %scan3A_289 : i32
        %get3A_323 = arith.index_cast %add3A_322 : i32 to index
        %get3A_324 = arith.constant 32 : index
        %get3A_325 = tpu.vector_load %arg5[%get3A_323, %get3A_324] {strides = array<i32>} : memref<64x256xf32, #tpu.memory_space<vmem>>, vector<1x16xf32>,
        %get3A_326 = vector.shape_cast %get3A_325 : vector<1x16xf32> to vector<16xf32>
        %add3A_327 = arith.addf %get3A_321, %get3A_326 : vector<16xf32>
        %swap3A_328 = arith.index_cast %scan3A_289 : i32 to index
        %swap3A_329 = arith.constant 32 : index
        %swap3A_330 = tpu.vector_load %arg7[%swap3A_328, %swap3A_329] {strides = array<i32>} : memref<64x256xf32, #tpu.memory_space<vmem>>, vector<1x16xf32>,
        %swap3A_331 = vector.shape_cast %swap3A_330 : vector<1x16xf32> to vector<16xf32>
        %swap3A_332 = vector.shape_cast %add3A_327 : vector<16xf32> to vector<1x16xf32>
        tpu.vector_store %arg7[%swap3A_328, %swap3A_329], %swap3A_332 {strides = array<i32>} : memref<64x256xf32, #tpu.memory_space<vmem>>, vector<1x16xf32>,
        %get3A_333 = arith.index_cast %scan3A_289 : i32 to index
        %get3A_334 = arith.constant 48 : index
        %get3A_335 = tpu.vector_load %arg7[%get3A_333, %get3A_334] {strides = array<i32>} : memref<64x256xf32, #tpu.memory_space<vmem>>, vector<1x16xf32>,
        %get3A_336 = vector.shape_cast %get3A_335 : vector<1x16xf32> to vector<16xf32>
        %add3A_337 = arith.addi %mul3A_171, %scan3A_289 : i32
        %get3A_338 = arith.index_cast %add3A_337 : i32 to index
        %get3A_339 = arith.constant 48 : index
        %get3A_340 = tpu.vector_load %arg5[%get3A_338, %get3A_339] {strides = array<i32>} : memref<64x256xf32, #tpu.memory_space<vmem>>, vector<1x16xf32>,
        %get3A_341 = vector.shape_cast %get3A_340 : vector<1x16xf32> to vector<16xf32>
        %add3A_342 = arith.addf %get3A_336, %get3A_341 : vector<16xf32>
        %swap3A_343 = arith.index_cast %scan3A_289 : i32 to index
        %swap3A_344 = arith.constant 48 : index
        %swap3A_345 = tpu.vector_load %arg7[%swap3A_343, %swap3A_344] {strides = array<i32>} : memref<64x256xf32, #tpu.memory_space<vmem>>, vector<1x16xf32>,
        %swap3A_346 = vector.shape_cast %swap3A_345 : vector<1x16xf32> to vector<16xf32>
        %swap3A_347 = vector.shape_cast %add3A_342 : vector<16xf32> to vector<1x16xf32>
        tpu.vector_store %arg7[%swap3A_343, %swap3A_344], %swap3A_347 {strides = array<i32>} : memref<64x256xf32, #tpu.memory_space<vmem>>, vector<1x16xf32>,
        %get3A_348 = arith.index_cast %scan3A_289 : i32 to index
        %get3A_349 = arith.constant 64 : index
        %get3A_350 = tpu.vector_load %arg7[%get3A_348, %get3A_349] {strides = array<i32>} : memref<64x256xf32, #tpu.memory_space<vmem>>, vector<1x16xf32>,
        %get3A_351 = vector.shape_cast %get3A_350 : vector<1x16xf32> to vector<16xf32>
        %add3A_352 = arith.addi %mul3A_171, %scan3A_289 : i32
        %get3A_353 = arith.index_cast %add3A_352 : i32 to index
        %get3A_354 = arith.constant 64 : index
        %get3A_355 = tpu.vector_load %arg5[%get3A_353, %get3A_354] {strides = array<i32>} : memref<64x256xf32, #tpu.memory_space<vmem>>, vector<1x16xf32>,
        %get3A_356 = vector.shape_cast %get3A_355 : vector<1x16xf32> to vector<16xf32>
        %add3A_357 = arith.addf %get3A_351, %get3A_356 : vector<16xf32>
        %swap3A_358 = arith.index_cast %scan3A_289 : i32 to index
        %swap3A_359 = arith.constant 64 : index
        %swap3A_360 = tpu.vector_load %arg7[%swap3A_358, %swap3A_359] {strides = array<i32>} : memref<64x256xf32, #tpu.memory_space<vmem>>, vector<1x16xf32>,
        %swap3A_361 = vector.shape_cast %swap3A_360 : vector<1x16xf32> to vector<16xf32>
        %swap3A_362 = vector.shape_cast %add3A_357 : vector<16xf32> to vector<1x16xf32>
        tpu.vector_store %arg7[%swap3A_358, %swap3A_359], %swap3A_362 {strides = array<i32>} : memref<64x256xf32, #tpu.memory_space<vmem>>, vector<1x16xf32>,
        %get3A_363 = arith.index_cast %scan3A_289 : i32 to index
        %get3A_364 = arith.constant 80 : index
        %get3A_365 = tpu.vector_load %arg7[%get3A_363, %get3A_364] {strides = array<i32>} : memref<64x256xf32, #tpu.memory_space<vmem>>, vector<1x16xf32>,
        %get3A_366 = vector.shape_cast %get3A_365 : vector<1x16xf32> to vector<16xf32>
        %add3A_367 = arith.addi %mul3A_171, %scan3A_289 : i32
        %get3A_368 = arith.index_cast %add3A_367 : i32 to index
        %get3A_369 = arith.constant 80 : index
        %get3A_370 = tpu.vector_load %arg5[%get3A_368, %get3A_369] {strides = array<i32>} : memref<64x256xf32, #tpu.memory_space<vmem>>, vector<1x16xf32>,
        %get3A_371 = vector.shape_cast %get3A_370 : vector<1x16xf32> to vector<16xf32>
        %add3A_372 = arith.addf %get3A_366, %get3A_371 : vector<16xf32>
        %swap3A_373 = arith.index_cast %scan3A_289 : i32 to index
        %swap3A_374 = arith.constant 80 : index
        %swap3A_375 = tpu.vector_load %arg7[%swap3A_373, %swap3A_374] {strides = array<i32>} : memref<64x256xf32, #tpu.memory_space<vmem>>, vector<1x16xf32>,
        %swap3A_376 = vector.shape_cast %swap3A_375 : vector<1x16xf32> to vector<16xf32>
        %swap3A_377 = vector.shape_cast %add3A_372 : vector<16xf32> to vector<1x16xf32>
        tpu.vector_store %arg7[%swap3A_373, %swap3A_374], %swap3A_377 {strides = array<i32>} : memref<64x256xf32, #tpu.memory_space<vmem>>, vector<1x16xf32>,
        %get3A_378 = arith.index_cast %scan3A_289 : i32 to index
        %get3A_379 = arith.constant 96 : index
        %get3A_380 = tpu.vector_load %arg7[%get3A_378, %get3A_379] {strides = array<i32>} : memref<64x256xf32, #tpu.memory_space<vmem>>, vector<1x16xf32>,
        %get3A_381 = vector.shape_cast %get3A_380 : vector<1x16xf32> to vector<16xf32>
        %add3A_382 = arith.addi %mul3A_171, %scan3A_289 : i32
        %get3A_383 = arith.index_cast %add3A_382 : i32 to index
        %get3A_384 = arith.constant 96 : index
        %get3A_385 = tpu.vector_load %arg5[%get3A_383, %get3A_384] {strides = array<i32>} : memref<64x256xf32, #tpu.memory_space<vmem>>, vector<1x16xf32>,
        %get3A_386 = vector.shape_cast %get3A_385 : vector<1x16xf32> to vector<16xf32>
        %add3A_387 = arith.addf %get3A_381, %get3A_386 : vector<16xf32>
        %swap3A_388 = arith.index_cast %scan3A_289 : i32 to index
        %swap3A_389 = arith.constant 96 : index
        %swap3A_390 = tpu.vector_load %arg7[%swap3A_388, %swap3A_389] {strides = array<i32>} : memref<64x256xf32, #tpu.memory_space<vmem>>, vector<1x16xf32>,
        %swap3A_391 = vector.shape_cast %swap3A_390 : vector<1x16xf32> to vector<16xf32>
        %swap3A_392 = vector.shape_cast %add3A_387 : vector<16xf32> to vector<1x16xf32>
        tpu.vector_store %arg7[%swap3A_388, %swap3A_389], %swap3A_392 {strides = array<i32>} : memref<64x256xf32, #tpu.memory_space<vmem>>, vector<1x16xf32>,
        %get3A_393 = arith.index_cast %scan3A_289 : i32 to index
        %get3A_394 = arith.constant 112 : index
        %get3A_395 = tpu.vector_load %arg7[%get3A_393, %get3A_394] {strides = array<i32>} : memref<64x256xf32, #tpu.memory_space<vmem>>, vector<1x16xf32>,
        %get3A_396 = vector.shape_cast %get3A_395 : vector<1x16xf32> to vector<16xf32>
        %add3A_397 = arith.addi %mul3A_171, %scan3A_289 : i32
        %get3A_398 = arith.index_cast %add3A_397 : i32 to index
        %get3A_399 = arith.constant 112 : index
        %get3A_400 = tpu.vector_load %arg5[%get3A_398, %get3A_399] {strides = array<i32>} : memref<64x256xf32, #tpu.memory_space<vmem>>, vector<1x16xf32>,
        %get3A_401 = vector.shape_cast %get3A_400 : vector<1x16xf32> to vector<16xf32>
        %add3A_402 = arith.addf %get3A_396, %get3A_401 : vector<16xf32>
        %swap3A_403 = arith.index_cast %scan3A_289 : i32 to index
        %swap3A_404 = arith.constant 112 : index
        %swap3A_405 = tpu.vector_load %arg7[%swap3A_403, %swap3A_404] {strides = array<i32>} : memref<64x256xf32, #tpu.memory_space<vmem>>, vector<1x16xf32>,
        %swap3A_406 = vector.shape_cast %swap3A_405 : vector<1x16xf32> to vector<16xf32>
        %swap3A_407 = vector.shape_cast %add3A_402 : vector<16xf32> to vector<1x16xf32>
        tpu.vector_store %arg7[%swap3A_403, %swap3A_404], %swap3A_407 {strides = array<i32>} : memref<64x256xf32, #tpu.memory_space<vmem>>, vector<1x16xf32>,
        %get3A_408 = arith.index_cast %scan3A_289 : i32 to index
        %get3A_409 = arith.constant 128 : index
        %get3A_410 = tpu.vector_load %arg7[%get3A_408, %get3A_409] {strides = array<i32>} : memref<64x256xf32, #tpu.memory_space<vmem>>, vector<1x16xf32>,
        %get3A_411 = vector.shape_cast %get3A_410 : vector<1x16xf32> to vector<16xf32>
        %add3A_412 = arith.addi %mul3A_171, %scan3A_289 : i32
        %get3A_413 = arith.index_cast %add3A_412 : i32 to index
        %get3A_414 = arith.constant 128 : index
        %get3A_415 = tpu.vector_load %arg5[%get3A_413, %get3A_414] {strides = array<i32>} : memref<64x256xf32, #tpu.memory_space<vmem>>, vector<1x16xf32>,
        %get3A_416 = vector.shape_cast %get3A_415 : vector<1x16xf32> to vector<16xf32>
        %add3A_417 = arith.addf %get3A_411, %get3A_416 : vector<16xf32>
        %swap3A_418 = arith.index_cast %scan3A_289 : i32 to index
        %swap3A_419 = arith.constant 128 : index
        %swap3A_420 = tpu.vector_load %arg7[%swap3A_418, %swap3A_419] {strides = array<i32>} : memref<64x256xf32, #tpu.memory_space<vmem>>, vector<1x16xf32>,
        %swap3A_421 = vector.shape_cast %swap3A_420 : vector<1x16xf32> to vector<16xf32>
        %swap3A_422 = vector.shape_cast %add3A_417 : vector<16xf32> to vector<1x16xf32>
        tpu.vector_store %arg7[%swap3A_418, %swap3A_419], %swap3A_422 {strides = array<i32>} : memref<64x256xf32, #tpu.memory_space<vmem>>, vector<1x16xf32>,
        %get3A_423 = arith.index_cast %scan3A_289 : i32 to index
        %get3A_424 = arith.constant 144 : index
        %get3A_425 = tpu.vector_load %arg7[%get3A_423, %get3A_424] {strides = array<i32>} : memref<64x256xf32, #tpu.memory_space<vmem>>, vector<1x16xf32>,
        %get3A_426 = vector.shape_cast %get3A_425 : vector<1x16xf32> to vector<16xf32>
        %add3A_427 = arith.addi %mul3A_171, %scan3A_289 : i32
        %get3A_428 = arith.index_cast %add3A_427 : i32 to index
        %get3A_429 = arith.constant 144 : index
        %get3A_430 = tpu.vector_load %arg5[%get3A_428, %get3A_429] {strides = array<i32>} : memref<64x256xf32, #tpu.memory_space<vmem>>, vector<1x16xf32>,
        %get3A_431 = vector.shape_cast %get3A_430 : vector<1x16xf32> to vector<16xf32>
        %add3A_432 = arith.addf %get3A_426, %get3A_431 : vector<16xf32>
        %swap3A_433 = arith.index_cast %scan3A_289 : i32 to index
        %swap3A_434 = arith.constant 144 : index
        %swap3A_435 = tpu.vector_load %arg7[%swap3A_433, %swap3A_434] {strides = array<i32>} : memref<64x256xf32, #tpu.memory_space<vmem>>, vector<1x16xf32>,
        %swap3A_436 = vector.shape_cast %swap3A_435 : vector<1x16xf32> to vector<16xf32>
        %swap3A_437 = vector.shape_cast %add3A_432 : vector<16xf32> to vector<1x16xf32>
        tpu.vector_store %arg7[%swap3A_433, %swap3A_434], %swap3A_437 {strides = array<i32>} : memref<64x256xf32, #tpu.memory_space<vmem>>, vector<1x16xf32>,
        %get3A_438 = arith.index_cast %scan3A_289 : i32 to index
        %get3A_439 = arith.constant 160 : index
        %get3A_440 = tpu.vector_load %arg7[%get3A_438, %get3A_439] {strides = array<i32>} : memref<64x256xf32, #tpu.memory_space<vmem>>, vector<1x16xf32>,
        %get3A_441 = vector.shape_cast %get3A_440 : vector<1x16xf32> to vector<16xf32>
        %add3A_442 = arith.addi %mul3A_171, %scan3A_289 : i32
        %get3A_443 = arith.index_cast %add3A_442 : i32 to index
        %get3A_444 = arith.constant 160 : index
        %get3A_445 = tpu.vector_load %arg5[%get3A_443, %get3A_444] {strides = array<i32>} : memref<64x256xf32, #tpu.memory_space<vmem>>, vector<1x16xf32>,
        %get3A_446 = vector.shape_cast %get3A_445 : vector<1x16xf32> to vector<16xf32>
        %add3A_447 = arith.addf %get3A_441, %get3A_446 : vector<16xf32>
        %swap3A_448 = arith.index_cast %scan3A_289 : i32 to index
        %swap3A_449 = arith.constant 160 : index
        %swap3A_450 = tpu.vector_load %arg7[%swap3A_448, %swap3A_449] {strides = array<i32>} : memref<64x256xf32, #tpu.memory_space<vmem>>, vector<1x16xf32>,
        %swap3A_451 = vector.shape_cast %swap3A_450 : vector<1x16xf32> to vector<16xf32>
        %swap3A_452 = vector.shape_cast %add3A_447 : vector<16xf32> to vector<1x16xf32>
        tpu.vector_store %arg7[%swap3A_448, %swap3A_449], %swap3A_452 {strides = array<i32>} : memref<64x256xf32, #tpu.memory_space<vmem>>, vector<1x16xf32>,
        %get3A_453 = arith.index_cast %scan3A_289 : i32 to index
        %get3A_454 = arith.constant 176 : index
        %get3A_455 = tpu.vector_load %arg7[%get3A_453, %get3A_454] {strides = array<i32>} : memref<64x256xf32, #tpu.memory_space<vmem>>, vector<1x16xf32>,
        %get3A_456 = vector.shape_cast %get3A_455 : vector<1x16xf32> to vector<16xf32>
        %add3A_457 = arith.addi %mul3A_171, %scan3A_289 : i32
        %get3A_458 = arith.index_cast %add3A_457 : i32 to index
        %get3A_459 = arith.constant 176 : index
        %get3A_460 = tpu.vector_load %arg5[%get3A_458, %get3A_459] {strides = array<i32>} : memref<64x256xf32, #tpu.memory_space<vmem>>, vector<1x16xf32>,
        %get3A_461 = vector.shape_cast %get3A_460 : vector<1x16xf32> to vector<16xf32>
        %add3A_462 = arith.addf %get3A_456, %get3A_461 : vector<16xf32>
        %swap3A_463 = arith.index_cast %scan3A_289 : i32 to index
        %swap3A_464 = arith.constant 176 : index
        %swap3A_465 = tpu.vector_load %arg7[%swap3A_463, %swap3A_464] {strides = array<i32>} : memref<64x256xf32, #tpu.memory_space<vmem>>, vector<1x16xf32>,
        %swap3A_466 = vector.shape_cast %swap3A_465 : vector<1x16xf32> to vector<16xf32>
        %swap3A_467 = vector.shape_cast %add3A_462 : vector<16xf32> to vector<1x16xf32>
        tpu.vector_store %arg7[%swap3A_463, %swap3A_464], %swap3A_467 {strides = array<i32>} : memref<64x256xf32, #tpu.memory_space<vmem>>, vector<1x16xf32>,
        %get3A_468 = arith.index_cast %scan3A_289 : i32 to index
        %get3A_469 = arith.constant 192 : index
        %get3A_470 = tpu.vector_load %arg7[%get3A_468, %get3A_469] {strides = array<i32>} : memref<64x256xf32, #tpu.memory_space<vmem>>, vector<1x16xf32>,
        %get3A_471 = vector.shape_cast %get3A_470 : vector<1x16xf32> to vector<16xf32>
        %add3A_472 = arith.addi %mul3A_171, %scan3A_289 : i32
        %get3A_473 = arith.index_cast %add3A_472 : i32 to index
        %get3A_474 = arith.constant 192 : index
        %get3A_475 = tpu.vector_load %arg5[%get3A_473, %get3A_474] {strides = array<i32>} : memref<64x256xf32, #tpu.memory_space<vmem>>, vector<1x16xf32>,
        %get3A_476 = vector.shape_cast %get3A_475 : vector<1x16xf32> to vector<16xf32>
        %add3A_477 = arith.addf %get3A_471, %get3A_476 : vector<16xf32>
        %swap3A_478 = arith.index_cast %scan3A_289 : i32 to index
        %swap3A_479 = arith.constant 192 : index
        %swap3A_480 = tpu.vector_load %arg7[%swap3A_478, %swap3A_479] {strides = array<i32>} : memref<64x256xf32, #tpu.memory_space<vmem>>, vector<1x16xf32>,
        %swap3A_481 = vector.shape_cast %swap3A_480 : vector<1x16xf32> to vector<16xf32>
        %swap3A_482 = vector.shape_cast %add3A_477 : vector<16xf32> to vector<1x16xf32>
        tpu.vector_store %arg7[%swap3A_478, %swap3A_479], %swap3A_482 {strides = array<i32>} : memref<64x256xf32, #tpu.memory_space<vmem>>, vector<1x16xf32>,
        %get3A_483 = arith.index_cast %scan3A_289 : i32 to index
        %get3A_484 = arith.constant 208 : index
        %get3A_485 = tpu.vector_load %arg7[%get3A_483, %get3A_484] {strides = array<i32>} : memref<64x256xf32, #tpu.memory_space<vmem>>, vector<1x16xf32>,
        %get3A_486 = vector.shape_cast %get3A_485 : vector<1x16xf32> to vector<16xf32>
        %add3A_487 = arith.addi %mul3A_171, %scan3A_289 : i32
        %get3A_488 = arith.index_cast %add3A_487 : i32 to index
        %get3A_489 = arith.constant 208 : index
        %get3A_490 = tpu.vector_load %arg5[%get3A_488, %get3A_489] {strides = array<i32>} : memref<64x256xf32, #tpu.memory_space<vmem>>, vector<1x16xf32>,
        %get3A_491 = vector.shape_cast %get3A_490 : vector<1x16xf32> to vector<16xf32>
        %add3A_492 = arith.addf %get3A_486, %get3A_491 : vector<16xf32>
        %swap3A_493 = arith.index_cast %scan3A_289 : i32 to index
        %swap3A_494 = arith.constant 208 : index
        %swap3A_495 = tpu.vector_load %arg7[%swap3A_493, %swap3A_494] {strides = array<i32>} : memref<64x256xf32, #tpu.memory_space<vmem>>, vector<1x16xf32>,
        %swap3A_496 = vector.shape_cast %swap3A_495 : vector<1x16xf32> to vector<16xf32>
        %swap3A_497 = vector.shape_cast %add3A_492 : vector<16xf32> to vector<1x16xf32>
        tpu.vector_store %arg7[%swap3A_493, %swap3A_494], %swap3A_497 {strides = array<i32>} : memref<64x256xf32, #tpu.memory_space<vmem>>, vector<1x16xf32>,
        %get3A_498 = arith.index_cast %scan3A_289 : i32 to index
        %get3A_499 = arith.constant 224 : index
        %get3A_500 = tpu.vector_load %arg7[%get3A_498, %get3A_499] {strides = array<i32>} : memref<64x256xf32, #tpu.memory_space<vmem>>, vector<1x16xf32>,
        %get3A_501 = vector.shape_cast %get3A_500 : vector<1x16xf32> to vector<16xf32>
        %add3A_502 = arith.addi %mul3A_171, %scan3A_289 : i32
        %get3A_503 = arith.index_cast %add3A_502 : i32 to index
        %get3A_504 = arith.constant 224 : index
        %get3A_505 = tpu.vector_load %arg5[%get3A_503, %get3A_504] {strides = array<i32>} : memref<64x256xf32, #tpu.memory_space<vmem>>, vector<1x16xf32>,
        %get3A_506 = vector.shape_cast %get3A_505 : vector<1x16xf32> to vector<16xf32>
        %add3A_507 = arith.addf %get3A_501, %get3A_506 : vector<16xf32>
        %swap3A_508 = arith.index_cast %scan3A_289 : i32 to index
        %swap3A_509 = arith.constant 224 : index
        %swap3A_510 = tpu.vector_load %arg7[%swap3A_508, %swap3A_509] {strides = array<i32>} : memref<64x256xf32, #tpu.memory_space<vmem>>, vector<1x16xf32>,
        %swap3A_511 = vector.shape_cast %swap3A_510 : vector<1x16xf32> to vector<16xf32>
        %swap3A_512 = vector.shape_cast %add3A_507 : vector<16xf32> to vector<1x16xf32>
        tpu.vector_store %arg7[%swap3A_508, %swap3A_509], %swap3A_512 {strides = array<i32>} : memref<64x256xf32, #tpu.memory_space<vmem>>, vector<1x16xf32>,
        %get3A_513 = arith.index_cast %scan3A_289 : i32 to index
        %get3A_514 = arith.constant 240 : index
        %get3A_515 = tpu.vector_load %arg7[%get3A_513, %get3A_514] {strides = array<i32>} : memref<64x256xf32, #tpu.memory_space<vmem>>, vector<1x16xf32>,
        %get3A_516 = vector.shape_cast %get3A_515 : vector<1x16xf32> to vector<16xf32>
        %add3A_517 = arith.addi %mul3A_171, %scan3A_289 : i32
        %get3A_518 = arith.index_cast %add3A_517 : i32 to index
        %get3A_519 = arith.constant 240 : index
        %get3A_520 = tpu.vector_load %arg5[%get3A_518, %get3A_519] {strides = array<i32>} : memref<64x256xf32, #tpu.memory_space<vmem>>, vector<1x16xf32>,
        %get3A_521 = vector.shape_cast %get3A_520 : vector<1x16xf32> to vector<16xf32>
        %add3A_522 = arith.addf %get3A_516, %get3A_521 : vector<16xf32>
        %swap3A_523 = arith.index_cast %scan3A_289 : i32 to index
        %swap3A_524 = arith.constant 240 : index
        %swap3A_525 = tpu.vector_load %arg7[%swap3A_523, %swap3A_524] {strides = array<i32>} : memref<64x256xf32, #tpu.memory_space<vmem>>, vector<1x16xf32>,
        %swap3A_526 = vector.shape_cast %swap3A_525 : vector<1x16xf32> to vector<16xf32>
        %swap3A_527 = vector.shape_cast %add3A_522 : vector<16xf32> to vector<1x16xf32>
        tpu.vector_store %arg7[%swap3A_523, %swap3A_524], %swap3A_527 {strides = array<i32>} : memref<64x256xf32, #tpu.memory_space<vmem>>, vector<1x16xf32>,
      }
      %scan3A_177 = arith.constant 64 : i32
      %mul3A_178 = arith.constant 128 : i32
      %mul3A_179 = arith.muli %div3A_1, %mul3A_178 : i32
      %div3A_180 = arith.constant 1 : i32
      %div3A_181 = arith.divsi %add3A_161, %div3A_180 : i32
      %add3A_182 = arith.addi %mul3A_179, %div3A_181 : i32
      %mul3A_183 = arith.constant 256 : i32
      %mul3A_184 = arith.muli %add3A_182, %mul3A_183 : i32
      %mul3A_185 = arith.constant 64 : i32
      %mul3A_186 = arith.muli %rem3A_2, %mul3A_185 : i32
      %add3A_187 = arith.addi %mul3A_184, %mul3A_186 : i32
      %rem3A_188 = arith.constant 1 : i32
      %rem3A_189 = arith.remsi %add3A_161, %rem3A_188 : i32
      %mul3A_190 = arith.constant 64 : i32
      %mul3A_191 = arith.muli %rem3A_189, %mul3A_190 : i32
      %add3A_192 = arith.addi %add3A_187, %mul3A_191 : i32
      %dma_start3A_193 = arith.constant 0 : i32
      %dma_start3A_194 = tpu.memref_slice %arg4[%add3A_192, %dma_start3A_193] : memref<262144x256xf32, #tpu.memory_space<hbm>> -> memref<64x256xf32, #tpu.memory_space<hbm>>
      %dma_start3A_195 = arith.constant 0 : i32
      %dma_start3A_196 = tpu.memref_slice %arg4[%add3A_192, %dma_start3A_195] : memref<262144x256xf32, #tpu.memory_space<hbm>> -> memref<64x256xf32, #tpu.memory_space<hbm>>
      tpu.enqueue_dma source(%arg7 : memref<64x256xf32, #tpu.memory_space<vmem>>) target(%dma_start3A_196 : memref<64x256xf32, #tpu.memory_space<hbm>>) target_semaphore(%arg15 : memref<!tpu.dma_semaphore, #tpu.memory_space<semaphore_mem>>)
      %gt3A_197 = arith.constant 0 : i32
      %gt3A_198 = arith.cmpi sgt, %scan3A_116, %gt3A_197 : i32
      %convert_element_type3A_199 = arith.extui %gt3A_198 : i1 to i32
      %cond3A_200 = arith.constant 0 : i32
      %cond3A_201 = arith.cmpi ne, %convert_element_type3A_199, %cond3A_200 : i32
      scf.if %cond3A_201 {
        %dma_wait3A_289 = arith.constant 0 : i32
        %dma_wait3A_290 = arith.constant 0 : i32
        %dma_wait3A_291 = tpu.memref_slice %arg4[%dma_wait3A_289, %dma_wait3A_290] : memref<262144x256xf32, #tpu.memory_space<hbm>> -> memref<64x256xf32, #tpu.memory_space<hbm>>
        %dma_wait3A_292 = arith.constant 0 : i32
        %dma_wait3A_293 = arith.constant 0 : i32
        %dma_wait3A_294 = tpu.memref_slice %arg4[%dma_wait3A_292, %dma_wait3A_293] : memref<262144x256xf32, #tpu.memory_space<hbm>> -> memref<64x256xf32, #tpu.memory_space<hbm>>
        tpu.wait_dma2 semaphore(%arg17 : memref<!tpu.dma_semaphore, #tpu.memory_space<semaphore_mem>>) src(%arg9 : memref<64x256xf32, #tpu.memory_space<vmem>>) dst(%dma_wait3A_294 : memref<64x256xf32, #tpu.memory_space<hbm>>)
        %add3A_295 = arith.constant 2 : i32
        %add3A_296 = arith.addi %add3A_161, %add3A_295 : i32
        %mul3A_297 = arith.constant 128 : i32
        %mul3A_298 = arith.muli %div3A_1, %mul3A_297 : i32
        %div3A_299 = arith.constant 1 : i32
        %div3A_300 = arith.divsi %add3A_296, %div3A_299 : i32
        %add3A_301 = arith.addi %mul3A_298, %div3A_300 : i32
        %mul3A_302 = arith.constant 256 : i32
        %mul3A_303 = arith.muli %add3A_301, %mul3A_302 : i32
        %mul3A_304 = arith.constant 64 : i32
        %mul3A_305 = arith.muli %rem3A_2, %mul3A_304 : i32
        %add3A_306 = arith.addi %mul3A_303, %mul3A_305 : i32
        %rem3A_307 = arith.constant 1 : i32
        %rem3A_308 = arith.remsi %add3A_296, %rem3A_307 : i32
        %mul3A_309 = arith.constant 64 : i32
        %mul3A_310 = arith.muli %rem3A_308, %mul3A_309 : i32
        %add3A_311 = arith.addi %add3A_306, %mul3A_310 : i32
        %dma_start3A_312 = arith.constant 0 : i32
        %dma_start3A_313 = tpu.memref_slice %arg2[%add3A_311, %dma_start3A_312] : memref<262144x256xf32, #tpu.memory_space<hbm>> -> memref<64x256xf32, #tpu.memory_space<hbm>>
        %dma_start3A_314 = arith.constant 0 : i32
        %dma_start3A_315 = tpu.memref_slice %arg2[%add3A_311, %dma_start3A_314] : memref<262144x256xf32, #tpu.memory_space<hbm>> -> memref<64x256xf32, #tpu.memory_space<hbm>>
        tpu.enqueue_dma source(%dma_start3A_315 : memref<64x256xf32, #tpu.memory_space<hbm>>) target(%arg9 : memref<64x256xf32, #tpu.memory_space<vmem>>) target_semaphore(%arg13 : memref<!tpu.dma_semaphore, #tpu.memory_space<semaphore_mem>>)
      } else {
      }
      %mul3A_202 = arith.constant 4 : i32
      %mul3A_203 = arith.muli %scan3A_116, %mul3A_202 : i32
      %add3A_204 = arith.constant 2 : i32
      %add3A_205 = arith.addi %mul3A_203, %add3A_204 : i32
      %dma_wait3A_206 = arith.constant 0 : i32
      %dma_wait3A_207 = arith.constant 0 : i32
      %dma_wait3A_208 = tpu.memref_slice %arg2[%dma_wait3A_206, %dma_wait3A_207] : memref<262144x256xf32, #tpu.memory_space<hbm>> -> memref<64x256xf32, #tpu.memory_space<hbm>>
      %dma_wait3A_209 = arith.constant 0 : i32
      %dma_wait3A_210 = arith.constant 0 : i32
      %dma_wait3A_211 = tpu.memref_slice %arg2[%dma_wait3A_209, %dma_wait3A_210] : memref<262144x256xf32, #tpu.memory_space<hbm>> -> memref<64x256xf32, #tpu.memory_space<hbm>>
      tpu.wait_dma2 semaphore(%arg12 : memref<!tpu.dma_semaphore, #tpu.memory_space<semaphore_mem>>) src(%dma_wait3A_211 : memref<64x256xf32, #tpu.memory_space<hbm>>) dst(%arg8 : memref<64x256xf32, #tpu.memory_space<vmem>>)
      %rem3A_212 = arith.constant 1 : i32
      %rem3A_213 = arith.remsi %add3A_205, %rem3A_212 : i32
      %mul3A_214 = arith.constant 64 : i32
      %mul3A_215 = arith.muli %rem3A_213, %mul3A_214 : i32
      %scan3A_216 = arith.constant 0 : i32
      %scan3A_217 = arith.constant 0 : i32
      %scan3A_218 = arith.constant 64 : i32
      %scan3A_219 = arith.addi %scan3A_217, %scan3A_218 : i32
      %scan3A_220 = arith.constant 1 : i32
      scf.for %scan3A_289 = %scan3A_217 to %scan3A_219 step %scan3A_220  : i32 {
        %get3A = arith.index_cast %scan3A_289 : i32 to index
        %get3A_290 = arith.constant 0 : index
        %get3A_291 = tpu.vector_load %arg8[%get3A, %get3A_290] {strides = array<i32>} : memref<64x256xf32, #tpu.memory_space<vmem>>, vector<1x16xf32>,
        %get3A_292 = vector.shape_cast %get3A_291 : vector<1x16xf32> to vector<16xf32>
        %add3A_293 = arith.addi %mul3A_215, %scan3A_289 : i32
        %get3A_294 = arith.index_cast %add3A_293 : i32 to index
        %get3A_295 = arith.constant 0 : index
        %get3A_296 = tpu.vector_load %arg5[%get3A_294, %get3A_295] {strides = array<i32>} : memref<64x256xf32, #tpu.memory_space<vmem>>, vector<1x16xf32>,
        %get3A_297 = vector.shape_cast %get3A_296 : vector<1x16xf32> to vector<16xf32>
        %add3A_298 = arith.addf %get3A_292, %get3A_297 : vector<16xf32>
        %swap3A = arith.index_cast %scan3A_289 : i32 to index
        %swap3A_299 = arith.constant 0 : index
        %swap3A_300 = tpu.vector_load %arg8[%swap3A, %swap3A_299] {strides = array<i32>} : memref<64x256xf32, #tpu.memory_space<vmem>>, vector<1x16xf32>,
        %swap3A_301 = vector.shape_cast %swap3A_300 : vector<1x16xf32> to vector<16xf32>
        %swap3A_302 = vector.shape_cast %add3A_298 : vector<16xf32> to vector<1x16xf32>
        tpu.vector_store %arg8[%swap3A, %swap3A_299], %swap3A_302 {strides = array<i32>} : memref<64x256xf32, #tpu.memory_space<vmem>>, vector<1x16xf32>,
        %get3A_303 = arith.index_cast %scan3A_289 : i32 to index
        %get3A_304 = arith.constant 16 : index
        %get3A_305 = tpu.vector_load %arg8[%get3A_303, %get3A_304] {strides = array<i32>} : memref<64x256xf32, #tpu.memory_space<vmem>>, vector<1x16xf32>,
        %get3A_306 = vector.shape_cast %get3A_305 : vector<1x16xf32> to vector<16xf32>
        %add3A_307 = arith.addi %mul3A_215, %scan3A_289 : i32
        %get3A_308 = arith.index_cast %add3A_307 : i32 to index
        %get3A_309 = arith.constant 16 : index
        %get3A_310 = tpu.vector_load %arg5[%get3A_308, %get3A_309] {strides = array<i32>} : memref<64x256xf32, #tpu.memory_space<vmem>>, vector<1x16xf32>,
        %get3A_311 = vector.shape_cast %get3A_310 : vector<1x16xf32> to vector<16xf32>
        %add3A_312 = arith.addf %get3A_306, %get3A_311 : vector<16xf32>
        %swap3A_313 = arith.index_cast %scan3A_289 : i32 to index
        %swap3A_314 = arith.constant 16 : index
        %swap3A_315 = tpu.vector_load %arg8[%swap3A_313, %swap3A_314] {strides = array<i32>} : memref<64x256xf32, #tpu.memory_space<vmem>>, vector<1x16xf32>,
        %swap3A_316 = vector.shape_cast %swap3A_315 : vector<1x16xf32> to vector<16xf32>
        %swap3A_317 = vector.shape_cast %add3A_312 : vector<16xf32> to vector<1x16xf32>
        tpu.vector_store %arg8[%swap3A_313, %swap3A_314], %swap3A_317 {strides = array<i32>} : memref<64x256xf32, #tpu.memory_space<vmem>>, vector<1x16xf32>,
        %get3A_318 = arith.index_cast %scan3A_289 : i32 to index
        %get3A_319 = arith.constant 32 : index
        %get3A_320 = tpu.vector_load %arg8[%get3A_318, %get3A_319] {strides = array<i32>} : memref<64x256xf32, #tpu.memory_space<vmem>>, vector<1x16xf32>,
        %get3A_321 = vector.shape_cast %get3A_320 : vector<1x16xf32> to vector<16xf32>
        %add3A_322 = arith.addi %mul3A_215, %scan3A_289 : i32
        %get3A_323 = arith.index_cast %add3A_322 : i32 to index
        %get3A_324 = arith.constant 32 : index
        %get3A_325 = tpu.vector_load %arg5[%get3A_323, %get3A_324] {strides = array<i32>} : memref<64x256xf32, #tpu.memory_space<vmem>>, vector<1x16xf32>,
        %get3A_326 = vector.shape_cast %get3A_325 : vector<1x16xf32> to vector<16xf32>
        %add3A_327 = arith.addf %get3A_321, %get3A_326 : vector<16xf32>
        %swap3A_328 = arith.index_cast %scan3A_289 : i32 to index
        %swap3A_329 = arith.constant 32 : index
        %swap3A_330 = tpu.vector_load %arg8[%swap3A_328, %swap3A_329] {strides = array<i32>} : memref<64x256xf32, #tpu.memory_space<vmem>>, vector<1x16xf32>,
        %swap3A_331 = vector.shape_cast %swap3A_330 : vector<1x16xf32> to vector<16xf32>
        %swap3A_332 = vector.shape_cast %add3A_327 : vector<16xf32> to vector<1x16xf32>
        tpu.vector_store %arg8[%swap3A_328, %swap3A_329], %swap3A_332 {strides = array<i32>} : memref<64x256xf32, #tpu.memory_space<vmem>>, vector<1x16xf32>,
        %get3A_333 = arith.index_cast %scan3A_289 : i32 to index
        %get3A_334 = arith.constant 48 : index
        %get3A_335 = tpu.vector_load %arg8[%get3A_333, %get3A_334] {strides = array<i32>} : memref<64x256xf32, #tpu.memory_space<vmem>>, vector<1x16xf32>,
        %get3A_336 = vector.shape_cast %get3A_335 : vector<1x16xf32> to vector<16xf32>
        %add3A_337 = arith.addi %mul3A_215, %scan3A_289 : i32
        %get3A_338 = arith.index_cast %add3A_337 : i32 to index
        %get3A_339 = arith.constant 48 : index
        %get3A_340 = tpu.vector_load %arg5[%get3A_338, %get3A_339] {strides = array<i32>} : memref<64x256xf32, #tpu.memory_space<vmem>>, vector<1x16xf32>,
        %get3A_341 = vector.shape_cast %get3A_340 : vector<1x16xf32> to vector<16xf32>
        %add3A_342 = arith.addf %get3A_336, %get3A_341 : vector<16xf32>
        %swap3A_343 = arith.index_cast %scan3A_289 : i32 to index
        %swap3A_344 = arith.constant 48 : index
        %swap3A_345 = tpu.vector_load %arg8[%swap3A_343, %swap3A_344] {strides = array<i32>} : memref<64x256xf32, #tpu.memory_space<vmem>>, vector<1x16xf32>,
        %swap3A_346 = vector.shape_cast %swap3A_345 : vector<1x16xf32> to vector<16xf32>
        %swap3A_347 = vector.shape_cast %add3A_342 : vector<16xf32> to vector<1x16xf32>
        tpu.vector_store %arg8[%swap3A_343, %swap3A_344], %swap3A_347 {strides = array<i32>} : memref<64x256xf32, #tpu.memory_space<vmem>>, vector<1x16xf32>,
        %get3A_348 = arith.index_cast %scan3A_289 : i32 to index
        %get3A_349 = arith.constant 64 : index
        %get3A_350 = tpu.vector_load %arg8[%get3A_348, %get3A_349] {strides = array<i32>} : memref<64x256xf32, #tpu.memory_space<vmem>>, vector<1x16xf32>,
        %get3A_351 = vector.shape_cast %get3A_350 : vector<1x16xf32> to vector<16xf32>
        %add3A_352 = arith.addi %mul3A_215, %scan3A_289 : i32
        %get3A_353 = arith.index_cast %add3A_352 : i32 to index
        %get3A_354 = arith.constant 64 : index
        %get3A_355 = tpu.vector_load %arg5[%get3A_353, %get3A_354] {strides = array<i32>} : memref<64x256xf32, #tpu.memory_space<vmem>>, vector<1x16xf32>,
        %get3A_356 = vector.shape_cast %get3A_355 : vector<1x16xf32> to vector<16xf32>
        %add3A_357 = arith.addf %get3A_351, %get3A_356 : vector<16xf32>
        %swap3A_358 = arith.index_cast %scan3A_289 : i32 to index
        %swap3A_359 = arith.constant 64 : index
        %swap3A_360 = tpu.vector_load %arg8[%swap3A_358, %swap3A_359] {strides = array<i32>} : memref<64x256xf32, #tpu.memory_space<vmem>>, vector<1x16xf32>,
        %swap3A_361 = vector.shape_cast %swap3A_360 : vector<1x16xf32> to vector<16xf32>
        %swap3A_362 = vector.shape_cast %add3A_357 : vector<16xf32> to vector<1x16xf32>
        tpu.vector_store %arg8[%swap3A_358, %swap3A_359], %swap3A_362 {strides = array<i32>} : memref<64x256xf32, #tpu.memory_space<vmem>>, vector<1x16xf32>,
        %get3A_363 = arith.index_cast %scan3A_289 : i32 to index
        %get3A_364 = arith.constant 80 : index
        %get3A_365 = tpu.vector_load %arg8[%get3A_363, %get3A_364] {strides = array<i32>} : memref<64x256xf32, #tpu.memory_space<vmem>>, vector<1x16xf32>,
        %get3A_366 = vector.shape_cast %get3A_365 : vector<1x16xf32> to vector<16xf32>
        %add3A_367 = arith.addi %mul3A_215, %scan3A_289 : i32
        %get3A_368 = arith.index_cast %add3A_367 : i32 to index
        %get3A_369 = arith.constant 80 : index
        %get3A_370 = tpu.vector_load %arg5[%get3A_368, %get3A_369] {strides = array<i32>} : memref<64x256xf32, #tpu.memory_space<vmem>>, vector<1x16xf32>,
        %get3A_371 = vector.shape_cast %get3A_370 : vector<1x16xf32> to vector<16xf32>
        %add3A_372 = arith.addf %get3A_366, %get3A_371 : vector<16xf32>
        %swap3A_373 = arith.index_cast %scan3A_289 : i32 to index
        %swap3A_374 = arith.constant 80 : index
        %swap3A_375 = tpu.vector_load %arg8[%swap3A_373, %swap3A_374] {strides = array<i32>} : memref<64x256xf32, #tpu.memory_space<vmem>>, vector<1x16xf32>,
        %swap3A_376 = vector.shape_cast %swap3A_375 : vector<1x16xf32> to vector<16xf32>
        %swap3A_377 = vector.shape_cast %add3A_372 : vector<16xf32> to vector<1x16xf32>
        tpu.vector_store %arg8[%swap3A_373, %swap3A_374], %swap3A_377 {strides = array<i32>} : memref<64x256xf32, #tpu.memory_space<vmem>>, vector<1x16xf32>,
        %get3A_378 = arith.index_cast %scan3A_289 : i32 to index
        %get3A_379 = arith.constant 96 : index
        %get3A_380 = tpu.vector_load %arg8[%get3A_378, %get3A_379] {strides = array<i32>} : memref<64x256xf32, #tpu.memory_space<vmem>>, vector<1x16xf32>,
        %get3A_381 = vector.shape_cast %get3A_380 : vector<1x16xf32> to vector<16xf32>
        %add3A_382 = arith.addi %mul3A_215, %scan3A_289 : i32
        %get3A_383 = arith.index_cast %add3A_382 : i32 to index
        %get3A_384 = arith.constant 96 : index
        %get3A_385 = tpu.vector_load %arg5[%get3A_383, %get3A_384] {strides = array<i32>} : memref<64x256xf32, #tpu.memory_space<vmem>>, vector<1x16xf32>,
        %get3A_386 = vector.shape_cast %get3A_385 : vector<1x16xf32> to vector<16xf32>
        %add3A_387 = arith.addf %get3A_381, %get3A_386 : vector<16xf32>
        %swap3A_388 = arith.index_cast %scan3A_289 : i32 to index
        %swap3A_389 = arith.constant 96 : index
        %swap3A_390 = tpu.vector_load %arg8[%swap3A_388, %swap3A_389] {strides = array<i32>} : memref<64x256xf32, #tpu.memory_space<vmem>>, vector<1x16xf32>,
        %swap3A_391 = vector.shape_cast %swap3A_390 : vector<1x16xf32> to vector<16xf32>
        %swap3A_392 = vector.shape_cast %add3A_387 : vector<16xf32> to vector<1x16xf32>
        tpu.vector_store %arg8[%swap3A_388, %swap3A_389], %swap3A_392 {strides = array<i32>} : memref<64x256xf32, #tpu.memory_space<vmem>>, vector<1x16xf32>,
        %get3A_393 = arith.index_cast %scan3A_289 : i32 to index
        %get3A_394 = arith.constant 112 : index
        %get3A_395 = tpu.vector_load %arg8[%get3A_393, %get3A_394] {strides = array<i32>} : memref<64x256xf32, #tpu.memory_space<vmem>>, vector<1x16xf32>,
        %get3A_396 = vector.shape_cast %get3A_395 : vector<1x16xf32> to vector<16xf32>
        %add3A_397 = arith.addi %mul3A_215, %scan3A_289 : i32
        %get3A_398 = arith.index_cast %add3A_397 : i32 to index
        %get3A_399 = arith.constant 112 : index
        %get3A_400 = tpu.vector_load %arg5[%get3A_398, %get3A_399] {strides = array<i32>} : memref<64x256xf32, #tpu.memory_space<vmem>>, vector<1x16xf32>,
        %get3A_401 = vector.shape_cast %get3A_400 : vector<1x16xf32> to vector<16xf32>
        %add3A_402 = arith.addf %get3A_396, %get3A_401 : vector<16xf32>
        %swap3A_403 = arith.index_cast %scan3A_289 : i32 to index
        %swap3A_404 = arith.constant 112 : index
        %swap3A_405 = tpu.vector_load %arg8[%swap3A_403, %swap3A_404] {strides = array<i32>} : memref<64x256xf32, #tpu.memory_space<vmem>>, vector<1x16xf32>,
        %swap3A_406 = vector.shape_cast %swap3A_405 : vector<1x16xf32> to vector<16xf32>
        %swap3A_407 = vector.shape_cast %add3A_402 : vector<16xf32> to vector<1x16xf32>
        tpu.vector_store %arg8[%swap3A_403, %swap3A_404], %swap3A_407 {strides = array<i32>} : memref<64x256xf32, #tpu.memory_space<vmem>>, vector<1x16xf32>,
        %get3A_408 = arith.index_cast %scan3A_289 : i32 to index
        %get3A_409 = arith.constant 128 : index
        %get3A_410 = tpu.vector_load %arg8[%get3A_408, %get3A_409] {strides = array<i32>} : memref<64x256xf32, #tpu.memory_space<vmem>>, vector<1x16xf32>,
        %get3A_411 = vector.shape_cast %get3A_410 : vector<1x16xf32> to vector<16xf32>
        %add3A_412 = arith.addi %mul3A_215, %scan3A_289 : i32
        %get3A_413 = arith.index_cast %add3A_412 : i32 to index
        %get3A_414 = arith.constant 128 : index
        %get3A_415 = tpu.vector_load %arg5[%get3A_413, %get3A_414] {strides = array<i32>} : memref<64x256xf32, #tpu.memory_space<vmem>>, vector<1x16xf32>,
        %get3A_416 = vector.shape_cast %get3A_415 : vector<1x16xf32> to vector<16xf32>
        %add3A_417 = arith.addf %get3A_411, %get3A_416 : vector<16xf32>
        %swap3A_418 = arith.index_cast %scan3A_289 : i32 to index
        %swap3A_419 = arith.constant 128 : index
        %swap3A_420 = tpu.vector_load %arg8[%swap3A_418, %swap3A_419] {strides = array<i32>} : memref<64x256xf32, #tpu.memory_space<vmem>>, vector<1x16xf32>,
        %swap3A_421 = vector.shape_cast %swap3A_420 : vector<1x16xf32> to vector<16xf32>
        %swap3A_422 = vector.shape_cast %add3A_417 : vector<16xf32> to vector<1x16xf32>
        tpu.vector_store %arg8[%swap3A_418, %swap3A_419], %swap3A_422 {strides = array<i32>} : memref<64x256xf32, #tpu.memory_space<vmem>>, vector<1x16xf32>,
        %get3A_423 = arith.index_cast %scan3A_289 : i32 to index
        %get3A_424 = arith.constant 144 : index
        %get3A_425 = tpu.vector_load %arg8[%get3A_423, %get3A_424] {strides = array<i32>} : memref<64x256xf32, #tpu.memory_space<vmem>>, vector<1x16xf32>,
        %get3A_426 = vector.shape_cast %get3A_425 : vector<1x16xf32> to vector<16xf32>
        %add3A_427 = arith.addi %mul3A_215, %scan3A_289 : i32
        %get3A_428 = arith.index_cast %add3A_427 : i32 to index
        %get3A_429 = arith.constant 144 : index
        %get3A_430 = tpu.vector_load %arg5[%get3A_428, %get3A_429] {strides = array<i32>} : memref<64x256xf32, #tpu.memory_space<vmem>>, vector<1x16xf32>,
        %get3A_431 = vector.shape_cast %get3A_430 : vector<1x16xf32> to vector<16xf32>
        %add3A_432 = arith.addf %get3A_426, %get3A_431 : vector<16xf32>
        %swap3A_433 = arith.index_cast %scan3A_289 : i32 to index
        %swap3A_434 = arith.constant 144 : index
        %swap3A_435 = tpu.vector_load %arg8[%swap3A_433, %swap3A_434] {strides = array<i32>} : memref<64x256xf32, #tpu.memory_space<vmem>>, vector<1x16xf32>,
        %swap3A_436 = vector.shape_cast %swap3A_435 : vector<1x16xf32> to vector<16xf32>
        %swap3A_437 = vector.shape_cast %add3A_432 : vector<16xf32> to vector<1x16xf32>
        tpu.vector_store %arg8[%swap3A_433, %swap3A_434], %swap3A_437 {strides = array<i32>} : memref<64x256xf32, #tpu.memory_space<vmem>>, vector<1x16xf32>,
        %get3A_438 = arith.index_cast %scan3A_289 : i32 to index
        %get3A_439 = arith.constant 160 : index
        %get3A_440 = tpu.vector_load %arg8[%get3A_438, %get3A_439] {strides = array<i32>} : memref<64x256xf32, #tpu.memory_space<vmem>>, vector<1x16xf32>,
        %get3A_441 = vector.shape_cast %get3A_440 : vector<1x16xf32> to vector<16xf32>
        %add3A_442 = arith.addi %mul3A_215, %scan3A_289 : i32
        %get3A_443 = arith.index_cast %add3A_442 : i32 to index
        %get3A_444 = arith.constant 160 : index
        %get3A_445 = tpu.vector_load %arg5[%get3A_443, %get3A_444] {strides = array<i32>} : memref<64x256xf32, #tpu.memory_space<vmem>>, vector<1x16xf32>,
        %get3A_446 = vector.shape_cast %get3A_445 : vector<1x16xf32> to vector<16xf32>
        %add3A_447 = arith.addf %get3A_441, %get3A_446 : vector<16xf32>
        %swap3A_448 = arith.index_cast %scan3A_289 : i32 to index
        %swap3A_449 = arith.constant 160 : index
        %swap3A_450 = tpu.vector_load %arg8[%swap3A_448, %swap3A_449] {strides = array<i32>} : memref<64x256xf32, #tpu.memory_space<vmem>>, vector<1x16xf32>,
        %swap3A_451 = vector.shape_cast %swap3A_450 : vector<1x16xf32> to vector<16xf32>
        %swap3A_452 = vector.shape_cast %add3A_447 : vector<16xf32> to vector<1x16xf32>
        tpu.vector_store %arg8[%swap3A_448, %swap3A_449], %swap3A_452 {strides = array<i32>} : memref<64x256xf32, #tpu.memory_space<vmem>>, vector<1x16xf32>,
        %get3A_453 = arith.index_cast %scan3A_289 : i32 to index
        %get3A_454 = arith.constant 176 : index
        %get3A_455 = tpu.vector_load %arg8[%get3A_453, %get3A_454] {strides = array<i32>} : memref<64x256xf32, #tpu.memory_space<vmem>>, vector<1x16xf32>,
        %get3A_456 = vector.shape_cast %get3A_455 : vector<1x16xf32> to vector<16xf32>
        %add3A_457 = arith.addi %mul3A_215, %scan3A_289 : i32
        %get3A_458 = arith.index_cast %add3A_457 : i32 to index
        %get3A_459 = arith.constant 176 : index
        %get3A_460 = tpu.vector_load %arg5[%get3A_458, %get3A_459] {strides = array<i32>} : memref<64x256xf32, #tpu.memory_space<vmem>>, vector<1x16xf32>,
        %get3A_461 = vector.shape_cast %get3A_460 : vector<1x16xf32> to vector<16xf32>
        %add3A_462 = arith.addf %get3A_456, %get3A_461 : vector<16xf32>
        %swap3A_463 = arith.index_cast %scan3A_289 : i32 to index
        %swap3A_464 = arith.constant 176 : index
        %swap3A_465 = tpu.vector_load %arg8[%swap3A_463, %swap3A_464] {strides = array<i32>} : memref<64x256xf32, #tpu.memory_space<vmem>>, vector<1x16xf32>,
        %swap3A_466 = vector.shape_cast %swap3A_465 : vector<1x16xf32> to vector<16xf32>
        %swap3A_467 = vector.shape_cast %add3A_462 : vector<16xf32> to vector<1x16xf32>
        tpu.vector_store %arg8[%swap3A_463, %swap3A_464], %swap3A_467 {strides = array<i32>} : memref<64x256xf32, #tpu.memory_space<vmem>>, vector<1x16xf32>,
        %get3A_468 = arith.index_cast %scan3A_289 : i32 to index
        %get3A_469 = arith.constant 192 : index
        %get3A_470 = tpu.vector_load %arg8[%get3A_468, %get3A_469] {strides = array<i32>} : memref<64x256xf32, #tpu.memory_space<vmem>>, vector<1x16xf32>,
        %get3A_471 = vector.shape_cast %get3A_470 : vector<1x16xf32> to vector<16xf32>
        %add3A_472 = arith.addi %mul3A_215, %scan3A_289 : i32
        %get3A_473 = arith.index_cast %add3A_472 : i32 to index
        %get3A_474 = arith.constant 192 : index
        %get3A_475 = tpu.vector_load %arg5[%get3A_473, %get3A_474] {strides = array<i32>} : memref<64x256xf32, #tpu.memory_space<vmem>>, vector<1x16xf32>,
        %get3A_476 = vector.shape_cast %get3A_475 : vector<1x16xf32> to vector<16xf32>
        %add3A_477 = arith.addf %get3A_471, %get3A_476 : vector<16xf32>
        %swap3A_478 = arith.index_cast %scan3A_289 : i32 to index
        %swap3A_479 = arith.constant 192 : index
        %swap3A_480 = tpu.vector_load %arg8[%swap3A_478, %swap3A_479] {strides = array<i32>} : memref<64x256xf32, #tpu.memory_space<vmem>>, vector<1x16xf32>,
        %swap3A_481 = vector.shape_cast %swap3A_480 : vector<1x16xf32> to vector<16xf32>
        %swap3A_482 = vector.shape_cast %add3A_477 : vector<16xf32> to vector<1x16xf32>
        tpu.vector_store %arg8[%swap3A_478, %swap3A_479], %swap3A_482 {strides = array<i32>} : memref<64x256xf32, #tpu.memory_space<vmem>>, vector<1x16xf32>,
        %get3A_483 = arith.index_cast %scan3A_289 : i32 to index
        %get3A_484 = arith.constant 208 : index
        %get3A_485 = tpu.vector_load %arg8[%get3A_483, %get3A_484] {strides = array<i32>} : memref<64x256xf32, #tpu.memory_space<vmem>>, vector<1x16xf32>,
        %get3A_486 = vector.shape_cast %get3A_485 : vector<1x16xf32> to vector<16xf32>
        %add3A_487 = arith.addi %mul3A_215, %scan3A_289 : i32
        %get3A_488 = arith.index_cast %add3A_487 : i32 to index
        %get3A_489 = arith.constant 208 : index
        %get3A_490 = tpu.vector_load %arg5[%get3A_488, %get3A_489] {strides = array<i32>} : memref<64x256xf32, #tpu.memory_space<vmem>>, vector<1x16xf32>,
        %get3A_491 = vector.shape_cast %get3A_490 : vector<1x16xf32> to vector<16xf32>
        %add3A_492 = arith.addf %get3A_486, %get3A_491 : vector<16xf32>
        %swap3A_493 = arith.index_cast %scan3A_289 : i32 to index
        %swap3A_494 = arith.constant 208 : index
        %swap3A_495 = tpu.vector_load %arg8[%swap3A_493, %swap3A_494] {strides = array<i32>} : memref<64x256xf32, #tpu.memory_space<vmem>>, vector<1x16xf32>,
        %swap3A_496 = vector.shape_cast %swap3A_495 : vector<1x16xf32> to vector<16xf32>
        %swap3A_497 = vector.shape_cast %add3A_492 : vector<16xf32> to vector<1x16xf32>
        tpu.vector_store %arg8[%swap3A_493, %swap3A_494], %swap3A_497 {strides = array<i32>} : memref<64x256xf32, #tpu.memory_space<vmem>>, vector<1x16xf32>,
        %get3A_498 = arith.index_cast %scan3A_289 : i32 to index
        %get3A_499 = arith.constant 224 : index
        %get3A_500 = tpu.vector_load %arg8[%get3A_498, %get3A_499] {strides = array<i32>} : memref<64x256xf32, #tpu.memory_space<vmem>>, vector<1x16xf32>,
        %get3A_501 = vector.shape_cast %get3A_500 : vector<1x16xf32> to vector<16xf32>
        %add3A_502 = arith.addi %mul3A_215, %scan3A_289 : i32
        %get3A_503 = arith.index_cast %add3A_502 : i32 to index
        %get3A_504 = arith.constant 224 : index
        %get3A_505 = tpu.vector_load %arg5[%get3A_503, %get3A_504] {strides = array<i32>} : memref<64x256xf32, #tpu.memory_space<vmem>>, vector<1x16xf32>,
        %get3A_506 = vector.shape_cast %get3A_505 : vector<1x16xf32> to vector<16xf32>
        %add3A_507 = arith.addf %get3A_501, %get3A_506 : vector<16xf32>
        %swap3A_508 = arith.index_cast %scan3A_289 : i32 to index
        %swap3A_509 = arith.constant 224 : index
        %swap3A_510 = tpu.vector_load %arg8[%swap3A_508, %swap3A_509] {strides = array<i32>} : memref<64x256xf32, #tpu.memory_space<vmem>>, vector<1x16xf32>,
        %swap3A_511 = vector.shape_cast %swap3A_510 : vector<1x16xf32> to vector<16xf32>
        %swap3A_512 = vector.shape_cast %add3A_507 : vector<16xf32> to vector<1x16xf32>
        tpu.vector_store %arg8[%swap3A_508, %swap3A_509], %swap3A_512 {strides = array<i32>} : memref<64x256xf32, #tpu.memory_space<vmem>>, vector<1x16xf32>,
        %get3A_513 = arith.index_cast %scan3A_289 : i32 to index
        %get3A_514 = arith.constant 240 : index
        %get3A_515 = tpu.vector_load %arg8[%get3A_513, %get3A_514] {strides = array<i32>} : memref<64x256xf32, #tpu.memory_space<vmem>>, vector<1x16xf32>,
        %get3A_516 = vector.shape_cast %get3A_515 : vector<1x16xf32> to vector<16xf32>
        %add3A_517 = arith.addi %mul3A_215, %scan3A_289 : i32
        %get3A_518 = arith.index_cast %add3A_517 : i32 to index
        %get3A_519 = arith.constant 240 : index
        %get3A_520 = tpu.vector_load %arg5[%get3A_518, %get3A_519] {strides = array<i32>} : memref<64x256xf32, #tpu.memory_space<vmem>>, vector<1x16xf32>,
        %get3A_521 = vector.shape_cast %get3A_520 : vector<1x16xf32> to vector<16xf32>
        %add3A_522 = arith.addf %get3A_516, %get3A_521 : vector<16xf32>
        %swap3A_523 = arith.index_cast %scan3A_289 : i32 to index
        %swap3A_524 = arith.constant 240 : index
        %swap3A_525 = tpu.vector_load %arg8[%swap3A_523, %swap3A_524] {strides = array<i32>} : memref<64x256xf32, #tpu.memory_space<vmem>>, vector<1x16xf32>,
        %swap3A_526 = vector.shape_cast %swap3A_525 : vector<1x16xf32> to vector<16xf32>
        %swap3A_527 = vector.shape_cast %add3A_522 : vector<16xf32> to vector<1x16xf32>
        tpu.vector_store %arg8[%swap3A_523, %swap3A_524], %swap3A_527 {strides = array<i32>} : memref<64x256xf32, #tpu.memory_space<vmem>>, vector<1x16xf32>,
      }
      %scan3A_221 = arith.constant 64 : i32
      %mul3A_222 = arith.constant 128 : i32
      %mul3A_223 = arith.muli %div3A_1, %mul3A_222 : i32
      %div3A_224 = arith.constant 1 : i32
      %div3A_225 = arith.divsi %add3A_205, %div3A_224 : i32
      %add3A_226 = arith.addi %mul3A_223, %div3A_225 : i32
      %mul3A_227 = arith.constant 256 : i32
      %mul3A_228 = arith.muli %add3A_226, %mul3A_227 : i32
      %mul3A_229 = arith.constant 64 : i32
      %mul3A_230 = arith.muli %rem3A_2, %mul3A_229 : i32
      %add3A_231 = arith.addi %mul3A_228, %mul3A_230 : i32
      %rem3A_232 = arith.constant 1 : i32
      %rem3A_233 = arith.remsi %add3A_205, %rem3A_232 : i32
      %mul3A_234 = arith.constant 64 : i32
      %mul3A_235 = arith.muli %rem3A_233, %mul3A_234 : i32
      %add3A_236 = arith.addi %add3A_231, %mul3A_235 : i32
      %dma_start3A_237 = arith.constant 0 : i32
      %dma_start3A_238 = tpu.memref_slice %arg4[%add3A_236, %dma_start3A_237] : memref<262144x256xf32, #tpu.memory_space<hbm>> -> memref<64x256xf32, #tpu.memory_space<hbm>>
      %dma_start3A_239 = arith.constant 0 : i32
      %dma_start3A_240 = tpu.memref_slice %arg4[%add3A_236, %dma_start3A_239] : memref<262144x256xf32, #tpu.memory_space<hbm>> -> memref<64x256xf32, #tpu.memory_space<hbm>>
      tpu.enqueue_dma source(%arg8 : memref<64x256xf32, #tpu.memory_space<vmem>>) target(%dma_start3A_240 : memref<64x256xf32, #tpu.memory_space<hbm>>) target_semaphore(%arg16 : memref<!tpu.dma_semaphore, #tpu.memory_space<semaphore_mem>>)
      %lt3A = arith.constant 31 : i32
      %lt3A_241 = arith.cmpi slt, %scan3A_116, %lt3A : i32
      %convert_element_type3A_242 = arith.extui %lt3A_241 : i1 to i32
      %cond3A_243 = arith.constant 0 : i32
      %cond3A_244 = arith.cmpi ne, %convert_element_type3A_242, %cond3A_243 : i32
      scf.if %cond3A_244 {
        %dma_wait3A_289 = arith.constant 0 : i32
        %dma_wait3A_290 = arith.constant 0 : i32
        %dma_wait3A_291 = tpu.memref_slice %arg4[%dma_wait3A_289, %dma_wait3A_290] : memref<262144x256xf32, #tpu.memory_space<hbm>> -> memref<64x256xf32, #tpu.memory_space<hbm>>
        %dma_wait3A_292 = arith.constant 0 : i32
        %dma_wait3A_293 = arith.constant 0 : i32
        %dma_wait3A_294 = tpu.memref_slice %arg4[%dma_wait3A_292, %dma_wait3A_293] : memref<262144x256xf32, #tpu.memory_space<hbm>> -> memref<64x256xf32, #tpu.memory_space<hbm>>
        tpu.wait_dma2 semaphore(%arg14 : memref<!tpu.dma_semaphore, #tpu.memory_space<semaphore_mem>>) src(%arg6 : memref<64x256xf32, #tpu.memory_space<vmem>>) dst(%dma_wait3A_294 : memref<64x256xf32, #tpu.memory_space<hbm>>)
        %add3A_295 = arith.constant 2 : i32
        %add3A_296 = arith.addi %add3A_205, %add3A_295 : i32
        %mul3A_297 = arith.constant 128 : i32
        %mul3A_298 = arith.muli %div3A_1, %mul3A_297 : i32
        %div3A_299 = arith.constant 1 : i32
        %div3A_300 = arith.divsi %add3A_296, %div3A_299 : i32
        %add3A_301 = arith.addi %mul3A_298, %div3A_300 : i32
        %mul3A_302 = arith.constant 256 : i32
        %mul3A_303 = arith.muli %add3A_301, %mul3A_302 : i32
        %mul3A_304 = arith.constant 64 : i32
        %mul3A_305 = arith.muli %rem3A_2, %mul3A_304 : i32
        %add3A_306 = arith.addi %mul3A_303, %mul3A_305 : i32
        %rem3A_307 = arith.constant 1 : i32
        %rem3A_308 = arith.remsi %add3A_296, %rem3A_307 : i32
        %mul3A_309 = arith.constant 64 : i32
        %mul3A_310 = arith.muli %rem3A_308, %mul3A_309 : i32
        %add3A_311 = arith.addi %add3A_306, %mul3A_310 : i32
        %dma_start3A_312 = arith.constant 0 : i32
        %dma_start3A_313 = tpu.memref_slice %arg2[%add3A_311, %dma_start3A_312] : memref<262144x256xf32, #tpu.memory_space<hbm>> -> memref<64x256xf32, #tpu.memory_space<hbm>>
        %dma_start3A_314 = arith.constant 0 : i32
        %dma_start3A_315 = tpu.memref_slice %arg2[%add3A_311, %dma_start3A_314] : memref<262144x256xf32, #tpu.memory_space<hbm>> -> memref<64x256xf32, #tpu.memory_space<hbm>>
        tpu.enqueue_dma source(%dma_start3A_315 : memref<64x256xf32, #tpu.memory_space<hbm>>) target(%arg6 : memref<64x256xf32, #tpu.memory_space<vmem>>) target_semaphore(%arg10 : memref<!tpu.dma_semaphore, #tpu.memory_space<semaphore_mem>>)
      } else {
      }
      %mul3A_245 = arith.constant 4 : i32
      %mul3A_246 = arith.muli %scan3A_116, %mul3A_245 : i32
      %add3A_247 = arith.constant 3 : i32
      %add3A_248 = arith.addi %mul3A_246, %add3A_247 : i32
      %dma_wait3A_249 = arith.constant 0 : i32
      %dma_wait3A_250 = arith.constant 0 : i32
      %dma_wait3A_251 = tpu.memref_slice %arg2[%dma_wait3A_249, %dma_wait3A_250] : memref<262144x256xf32, #tpu.memory_space<hbm>> -> memref<64x256xf32, #tpu.memory_space<hbm>>
      %dma_wait3A_252 = arith.constant 0 : i32
      %dma_wait3A_253 = arith.constant 0 : i32
      %dma_wait3A_254 = tpu.memref_slice %arg2[%dma_wait3A_252, %dma_wait3A_253] : memref<262144x256xf32, #tpu.memory_space<hbm>> -> memref<64x256xf32, #tpu.memory_space<hbm>>
      tpu.wait_dma2 semaphore(%arg13 : memref<!tpu.dma_semaphore, #tpu.memory_space<semaphore_mem>>) src(%dma_wait3A_254 : memref<64x256xf32, #tpu.memory_space<hbm>>) dst(%arg9 : memref<64x256xf32, #tpu.memory_space<vmem>>)
      %rem3A_255 = arith.constant 1 : i32
      %rem3A_256 = arith.remsi %add3A_248, %rem3A_255 : i32
      %mul3A_257 = arith.constant 64 : i32
      %mul3A_258 = arith.muli %rem3A_256, %mul3A_257 : i32
      %scan3A_259 = arith.constant 0 : i32
      %scan3A_260 = arith.constant 0 : i32
      %scan3A_261 = arith.constant 64 : i32
      %scan3A_262 = arith.addi %scan3A_260, %scan3A_261 : i32
      %scan3A_263 = arith.constant 1 : i32
      scf.for %scan3A_289 = %scan3A_260 to %scan3A_262 step %scan3A_263  : i32 {
        %get3A = arith.index_cast %scan3A_289 : i32 to index
        %get3A_290 = arith.constant 0 : index
        %get3A_291 = tpu.vector_load %arg9[%get3A, %get3A_290] {strides = array<i32>} : memref<64x256xf32, #tpu.memory_space<vmem>>, vector<1x16xf32>,
        %get3A_292 = vector.shape_cast %get3A_291 : vector<1x16xf32> to vector<16xf32>
        %add3A_293 = arith.addi %mul3A_258, %scan3A_289 : i32
        %get3A_294 = arith.index_cast %add3A_293 : i32 to index
        %get3A_295 = arith.constant 0 : index
        %get3A_296 = tpu.vector_load %arg5[%get3A_294, %get3A_295] {strides = array<i32>} : memref<64x256xf32, #tpu.memory_space<vmem>>, vector<1x16xf32>,
        %get3A_297 = vector.shape_cast %get3A_296 : vector<1x16xf32> to vector<16xf32>
        %add3A_298 = arith.addf %get3A_292, %get3A_297 : vector<16xf32>
        %swap3A = arith.index_cast %scan3A_289 : i32 to index
        %swap3A_299 = arith.constant 0 : index
        %swap3A_300 = tpu.vector_load %arg9[%swap3A, %swap3A_299] {strides = array<i32>} : memref<64x256xf32, #tpu.memory_space<vmem>>, vector<1x16xf32>,
        %swap3A_301 = vector.shape_cast %swap3A_300 : vector<1x16xf32> to vector<16xf32>
        %swap3A_302 = vector.shape_cast %add3A_298 : vector<16xf32> to vector<1x16xf32>
        tpu.vector_store %arg9[%swap3A, %swap3A_299], %swap3A_302 {strides = array<i32>} : memref<64x256xf32, #tpu.memory_space<vmem>>, vector<1x16xf32>,
        %get3A_303 = arith.index_cast %scan3A_289 : i32 to index
        %get3A_304 = arith.constant 16 : index
        %get3A_305 = tpu.vector_load %arg9[%get3A_303, %get3A_304] {strides = array<i32>} : memref<64x256xf32, #tpu.memory_space<vmem>>, vector<1x16xf32>,
        %get3A_306 = vector.shape_cast %get3A_305 : vector<1x16xf32> to vector<16xf32>
        %add3A_307 = arith.addi %mul3A_258, %scan3A_289 : i32
        %get3A_308 = arith.index_cast %add3A_307 : i32 to index
        %get3A_309 = arith.constant 16 : index
        %get3A_310 = tpu.vector_load %arg5[%get3A_308, %get3A_309] {strides = array<i32>} : memref<64x256xf32, #tpu.memory_space<vmem>>, vector<1x16xf32>,
        %get3A_311 = vector.shape_cast %get3A_310 : vector<1x16xf32> to vector<16xf32>
        %add3A_312 = arith.addf %get3A_306, %get3A_311 : vector<16xf32>
        %swap3A_313 = arith.index_cast %scan3A_289 : i32 to index
        %swap3A_314 = arith.constant 16 : index
        %swap3A_315 = tpu.vector_load %arg9[%swap3A_313, %swap3A_314] {strides = array<i32>} : memref<64x256xf32, #tpu.memory_space<vmem>>, vector<1x16xf32>,
        %swap3A_316 = vector.shape_cast %swap3A_315 : vector<1x16xf32> to vector<16xf32>
        %swap3A_317 = vector.shape_cast %add3A_312 : vector<16xf32> to vector<1x16xf32>
        tpu.vector_store %arg9[%swap3A_313, %swap3A_314], %swap3A_317 {strides = array<i32>} : memref<64x256xf32, #tpu.memory_space<vmem>>, vector<1x16xf32>,
        %get3A_318 = arith.index_cast %scan3A_289 : i32 to index
        %get3A_319 = arith.constant 32 : index
        %get3A_320 = tpu.vector_load %arg9[%get3A_318, %get3A_319] {strides = array<i32>} : memref<64x256xf32, #tpu.memory_space<vmem>>, vector<1x16xf32>,
        %get3A_321 = vector.shape_cast %get3A_320 : vector<1x16xf32> to vector<16xf32>
        %add3A_322 = arith.addi %mul3A_258, %scan3A_289 : i32
        %get3A_323 = arith.index_cast %add3A_322 : i32 to index
        %get3A_324 = arith.constant 32 : index
        %get3A_325 = tpu.vector_load %arg5[%get3A_323, %get3A_324] {strides = array<i32>} : memref<64x256xf32, #tpu.memory_space<vmem>>, vector<1x16xf32>,
        %get3A_326 = vector.shape_cast %get3A_325 : vector<1x16xf32> to vector<16xf32>
        %add3A_327 = arith.addf %get3A_321, %get3A_326 : vector<16xf32>
        %swap3A_328 = arith.index_cast %scan3A_289 : i32 to index
        %swap3A_329 = arith.constant 32 : index
        %swap3A_330 = tpu.vector_load %arg9[%swap3A_328, %swap3A_329] {strides = array<i32>} : memref<64x256xf32, #tpu.memory_space<vmem>>, vector<1x16xf32>,
        %swap3A_331 = vector.shape_cast %swap3A_330 : vector<1x16xf32> to vector<16xf32>
        %swap3A_332 = vector.shape_cast %add3A_327 : vector<16xf32> to vector<1x16xf32>
        tpu.vector_store %arg9[%swap3A_328, %swap3A_329], %swap3A_332 {strides = array<i32>} : memref<64x256xf32, #tpu.memory_space<vmem>>, vector<1x16xf32>,
        %get3A_333 = arith.index_cast %scan3A_289 : i32 to index
        %get3A_334 = arith.constant 48 : index
        %get3A_335 = tpu.vector_load %arg9[%get3A_333, %get3A_334] {strides = array<i32>} : memref<64x256xf32, #tpu.memory_space<vmem>>, vector<1x16xf32>,
        %get3A_336 = vector.shape_cast %get3A_335 : vector<1x16xf32> to vector<16xf32>
        %add3A_337 = arith.addi %mul3A_258, %scan3A_289 : i32
        %get3A_338 = arith.index_cast %add3A_337 : i32 to index
        %get3A_339 = arith.constant 48 : index
        %get3A_340 = tpu.vector_load %arg5[%get3A_338, %get3A_339] {strides = array<i32>} : memref<64x256xf32, #tpu.memory_space<vmem>>, vector<1x16xf32>,
        %get3A_341 = vector.shape_cast %get3A_340 : vector<1x16xf32> to vector<16xf32>
        %add3A_342 = arith.addf %get3A_336, %get3A_341 : vector<16xf32>
        %swap3A_343 = arith.index_cast %scan3A_289 : i32 to index
        %swap3A_344 = arith.constant 48 : index
        %swap3A_345 = tpu.vector_load %arg9[%swap3A_343, %swap3A_344] {strides = array<i32>} : memref<64x256xf32, #tpu.memory_space<vmem>>, vector<1x16xf32>,
        %swap3A_346 = vector.shape_cast %swap3A_345 : vector<1x16xf32> to vector<16xf32>
        %swap3A_347 = vector.shape_cast %add3A_342 : vector<16xf32> to vector<1x16xf32>
        tpu.vector_store %arg9[%swap3A_343, %swap3A_344], %swap3A_347 {strides = array<i32>} : memref<64x256xf32, #tpu.memory_space<vmem>>, vector<1x16xf32>,
        %get3A_348 = arith.index_cast %scan3A_289 : i32 to index
        %get3A_349 = arith.constant 64 : index
        %get3A_350 = tpu.vector_load %arg9[%get3A_348, %get3A_349] {strides = array<i32>} : memref<64x256xf32, #tpu.memory_space<vmem>>, vector<1x16xf32>,
        %get3A_351 = vector.shape_cast %get3A_350 : vector<1x16xf32> to vector<16xf32>
        %add3A_352 = arith.addi %mul3A_258, %scan3A_289 : i32
        %get3A_353 = arith.index_cast %add3A_352 : i32 to index
        %get3A_354 = arith.constant 64 : index
        %get3A_355 = tpu.vector_load %arg5[%get3A_353, %get3A_354] {strides = array<i32>} : memref<64x256xf32, #tpu.memory_space<vmem>>, vector<1x16xf32>,
        %get3A_356 = vector.shape_cast %get3A_355 : vector<1x16xf32> to vector<16xf32>
        %add3A_357 = arith.addf %get3A_351, %get3A_356 : vector<16xf32>
        %swap3A_358 = arith.index_cast %scan3A_289 : i32 to index
        %swap3A_359 = arith.constant 64 : index
        %swap3A_360 = tpu.vector_load %arg9[%swap3A_358, %swap3A_359] {strides = array<i32>} : memref<64x256xf32, #tpu.memory_space<vmem>>, vector<1x16xf32>,
        %swap3A_361 = vector.shape_cast %swap3A_360 : vector<1x16xf32> to vector<16xf32>
        %swap3A_362 = vector.shape_cast %add3A_357 : vector<16xf32> to vector<1x16xf32>
        tpu.vector_store %arg9[%swap3A_358, %swap3A_359], %swap3A_362 {strides = array<i32>} : memref<64x256xf32, #tpu.memory_space<vmem>>, vector<1x16xf32>,
        %get3A_363 = arith.index_cast %scan3A_289 : i32 to index
        %get3A_364 = arith.constant 80 : index
        %get3A_365 = tpu.vector_load %arg9[%get3A_363, %get3A_364] {strides = array<i32>} : memref<64x256xf32, #tpu.memory_space<vmem>>, vector<1x16xf32>,
        %get3A_366 = vector.shape_cast %get3A_365 : vector<1x16xf32> to vector<16xf32>
        %add3A_367 = arith.addi %mul3A_258, %scan3A_289 : i32
        %get3A_368 = arith.index_cast %add3A_367 : i32 to index
        %get3A_369 = arith.constant 80 : index
        %get3A_370 = tpu.vector_load %arg5[%get3A_368, %get3A_369] {strides = array<i32>} : memref<64x256xf32, #tpu.memory_space<vmem>>, vector<1x16xf32>,
        %get3A_371 = vector.shape_cast %get3A_370 : vector<1x16xf32> to vector<16xf32>
        %add3A_372 = arith.addf %get3A_366, %get3A_371 : vector<16xf32>
        %swap3A_373 = arith.index_cast %scan3A_289 : i32 to index
        %swap3A_374 = arith.constant 80 : index
        %swap3A_375 = tpu.vector_load %arg9[%swap3A_373, %swap3A_374] {strides = array<i32>} : memref<64x256xf32, #tpu.memory_space<vmem>>, vector<1x16xf32>,
        %swap3A_376 = vector.shape_cast %swap3A_375 : vector<1x16xf32> to vector<16xf32>
        %swap3A_377 = vector.shape_cast %add3A_372 : vector<16xf32> to vector<1x16xf32>
        tpu.vector_store %arg9[%swap3A_373, %swap3A_374], %swap3A_377 {strides = array<i32>} : memref<64x256xf32, #tpu.memory_space<vmem>>, vector<1x16xf32>,
        %get3A_378 = arith.index_cast %scan3A_289 : i32 to index
        %get3A_379 = arith.constant 96 : index
        %get3A_380 = tpu.vector_load %arg9[%get3A_378, %get3A_379] {strides = array<i32>} : memref<64x256xf32, #tpu.memory_space<vmem>>, vector<1x16xf32>,
        %get3A_381 = vector.shape_cast %get3A_380 : vector<1x16xf32> to vector<16xf32>
        %add3A_382 = arith.addi %mul3A_258, %scan3A_289 : i32
        %get3A_383 = arith.index_cast %add3A_382 : i32 to index
        %get3A_384 = arith.constant 96 : index
        %get3A_385 = tpu.vector_load %arg5[%get3A_383, %get3A_384] {strides = array<i32>} : memref<64x256xf32, #tpu.memory_space<vmem>>, vector<1x16xf32>,
        %get3A_386 = vector.shape_cast %get3A_385 : vector<1x16xf32> to vector<16xf32>
        %add3A_387 = arith.addf %get3A_381, %get3A_386 : vector<16xf32>
        %swap3A_388 = arith.index_cast %scan3A_289 : i32 to index
        %swap3A_389 = arith.constant 96 : index
        %swap3A_390 = tpu.vector_load %arg9[%swap3A_388, %swap3A_389] {strides = array<i32>} : memref<64x256xf32, #tpu.memory_space<vmem>>, vector<1x16xf32>,
        %swap3A_391 = vector.shape_cast %swap3A_390 : vector<1x16xf32> to vector<16xf32>
        %swap3A_392 = vector.shape_cast %add3A_387 : vector<16xf32> to vector<1x16xf32>
        tpu.vector_store %arg9[%swap3A_388, %swap3A_389], %swap3A_392 {strides = array<i32>} : memref<64x256xf32, #tpu.memory_space<vmem>>, vector<1x16xf32>,
        %get3A_393 = arith.index_cast %scan3A_289 : i32 to index
        %get3A_394 = arith.constant 112 : index
        %get3A_395 = tpu.vector_load %arg9[%get3A_393, %get3A_394] {strides = array<i32>} : memref<64x256xf32, #tpu.memory_space<vmem>>, vector<1x16xf32>,
        %get3A_396 = vector.shape_cast %get3A_395 : vector<1x16xf32> to vector<16xf32>
        %add3A_397 = arith.addi %mul3A_258, %scan3A_289 : i32
        %get3A_398 = arith.index_cast %add3A_397 : i32 to index
        %get3A_399 = arith.constant 112 : index
        %get3A_400 = tpu.vector_load %arg5[%get3A_398, %get3A_399] {strides = array<i32>} : memref<64x256xf32, #tpu.memory_space<vmem>>, vector<1x16xf32>,
        %get3A_401 = vector.shape_cast %get3A_400 : vector<1x16xf32> to vector<16xf32>
        %add3A_402 = arith.addf %get3A_396, %get3A_401 : vector<16xf32>
        %swap3A_403 = arith.index_cast %scan3A_289 : i32 to index
        %swap3A_404 = arith.constant 112 : index
        %swap3A_405 = tpu.vector_load %arg9[%swap3A_403, %swap3A_404] {strides = array<i32>} : memref<64x256xf32, #tpu.memory_space<vmem>>, vector<1x16xf32>,
        %swap3A_406 = vector.shape_cast %swap3A_405 : vector<1x16xf32> to vector<16xf32>
        %swap3A_407 = vector.shape_cast %add3A_402 : vector<16xf32> to vector<1x16xf32>
        tpu.vector_store %arg9[%swap3A_403, %swap3A_404], %swap3A_407 {strides = array<i32>} : memref<64x256xf32, #tpu.memory_space<vmem>>, vector<1x16xf32>,
        %get3A_408 = arith.index_cast %scan3A_289 : i32 to index
        %get3A_409 = arith.constant 128 : index
        %get3A_410 = tpu.vector_load %arg9[%get3A_408, %get3A_409] {strides = array<i32>} : memref<64x256xf32, #tpu.memory_space<vmem>>, vector<1x16xf32>,
        %get3A_411 = vector.shape_cast %get3A_410 : vector<1x16xf32> to vector<16xf32>
        %add3A_412 = arith.addi %mul3A_258, %scan3A_289 : i32
        %get3A_413 = arith.index_cast %add3A_412 : i32 to index
        %get3A_414 = arith.constant 128 : index
        %get3A_415 = tpu.vector_load %arg5[%get3A_413, %get3A_414] {strides = array<i32>} : memref<64x256xf32, #tpu.memory_space<vmem>>, vector<1x16xf32>,
        %get3A_416 = vector.shape_cast %get3A_415 : vector<1x16xf32> to vector<16xf32>
        %add3A_417 = arith.addf %get3A_411, %get3A_416 : vector<16xf32>
        %swap3A_418 = arith.index_cast %scan3A_289 : i32 to index
        %swap3A_419 = arith.constant 128 : index
        %swap3A_420 = tpu.vector_load %arg9[%swap3A_418, %swap3A_419] {strides = array<i32>} : memref<64x256xf32, #tpu.memory_space<vmem>>, vector<1x16xf32>,
        %swap3A_421 = vector.shape_cast %swap3A_420 : vector<1x16xf32> to vector<16xf32>
        %swap3A_422 = vector.shape_cast %add3A_417 : vector<16xf32> to vector<1x16xf32>
        tpu.vector_store %arg9[%swap3A_418, %swap3A_419], %swap3A_422 {strides = array<i32>} : memref<64x256xf32, #tpu.memory_space<vmem>>, vector<1x16xf32>,
        %get3A_423 = arith.index_cast %scan3A_289 : i32 to index
        %get3A_424 = arith.constant 144 : index
        %get3A_425 = tpu.vector_load %arg9[%get3A_423, %get3A_424] {strides = array<i32>} : memref<64x256xf32, #tpu.memory_space<vmem>>, vector<1x16xf32>,
        %get3A_426 = vector.shape_cast %get3A_425 : vector<1x16xf32> to vector<16xf32>
        %add3A_427 = arith.addi %mul3A_258, %scan3A_289 : i32
        %get3A_428 = arith.index_cast %add3A_427 : i32 to index
        %get3A_429 = arith.constant 144 : index
        %get3A_430 = tpu.vector_load %arg5[%get3A_428, %get3A_429] {strides = array<i32>} : memref<64x256xf32, #tpu.memory_space<vmem>>, vector<1x16xf32>,
        %get3A_431 = vector.shape_cast %get3A_430 : vector<1x16xf32> to vector<16xf32>
        %add3A_432 = arith.addf %get3A_426, %get3A_431 : vector<16xf32>
        %swap3A_433 = arith.index_cast %scan3A_289 : i32 to index
        %swap3A_434 = arith.constant 144 : index
        %swap3A_435 = tpu.vector_load %arg9[%swap3A_433, %swap3A_434] {strides = array<i32>} : memref<64x256xf32, #tpu.memory_space<vmem>>, vector<1x16xf32>,
        %swap3A_436 = vector.shape_cast %swap3A_435 : vector<1x16xf32> to vector<16xf32>
        %swap3A_437 = vector.shape_cast %add3A_432 : vector<16xf32> to vector<1x16xf32>
        tpu.vector_store %arg9[%swap3A_433, %swap3A_434], %swap3A_437 {strides = array<i32>} : memref<64x256xf32, #tpu.memory_space<vmem>>, vector<1x16xf32>,
        %get3A_438 = arith.index_cast %scan3A_289 : i32 to index
        %get3A_439 = arith.constant 160 : index
        %get3A_440 = tpu.vector_load %arg9[%get3A_438, %get3A_439] {strides = array<i32>} : memref<64x256xf32, #tpu.memory_space<vmem>>, vector<1x16xf32>,
        %get3A_441 = vector.shape_cast %get3A_440 : vector<1x16xf32> to vector<16xf32>
        %add3A_442 = arith.addi %mul3A_258, %scan3A_289 : i32
        %get3A_443 = arith.index_cast %add3A_442 : i32 to index
        %get3A_444 = arith.constant 160 : index
        %get3A_445 = tpu.vector_load %arg5[%get3A_443, %get3A_444] {strides = array<i32>} : memref<64x256xf32, #tpu.memory_space<vmem>>, vector<1x16xf32>,
        %get3A_446 = vector.shape_cast %get3A_445 : vector<1x16xf32> to vector<16xf32>
        %add3A_447 = arith.addf %get3A_441, %get3A_446 : vector<16xf32>
        %swap3A_448 = arith.index_cast %scan3A_289 : i32 to index
        %swap3A_449 = arith.constant 160 : index
        %swap3A_450 = tpu.vector_load %arg9[%swap3A_448, %swap3A_449] {strides = array<i32>} : memref<64x256xf32, #tpu.memory_space<vmem>>, vector<1x16xf32>,
        %swap3A_451 = vector.shape_cast %swap3A_450 : vector<1x16xf32> to vector<16xf32>
        %swap3A_452 = vector.shape_cast %add3A_447 : vector<16xf32> to vector<1x16xf32>
        tpu.vector_store %arg9[%swap3A_448, %swap3A_449], %swap3A_452 {strides = array<i32>} : memref<64x256xf32, #tpu.memory_space<vmem>>, vector<1x16xf32>,
        %get3A_453 = arith.index_cast %scan3A_289 : i32 to index
        %get3A_454 = arith.constant 176 : index
        %get3A_455 = tpu.vector_load %arg9[%get3A_453, %get3A_454] {strides = array<i32>} : memref<64x256xf32, #tpu.memory_space<vmem>>, vector<1x16xf32>,
        %get3A_456 = vector.shape_cast %get3A_455 : vector<1x16xf32> to vector<16xf32>
        %add3A_457 = arith.addi %mul3A_258, %scan3A_289 : i32
        %get3A_458 = arith.index_cast %add3A_457 : i32 to index
        %get3A_459 = arith.constant 176 : index
        %get3A_460 = tpu.vector_load %arg5[%get3A_458, %get3A_459] {strides = array<i32>} : memref<64x256xf32, #tpu.memory_space<vmem>>, vector<1x16xf32>,
        %get3A_461 = vector.shape_cast %get3A_460 : vector<1x16xf32> to vector<16xf32>
        %add3A_462 = arith.addf %get3A_456, %get3A_461 : vector<16xf32>
        %swap3A_463 = arith.index_cast %scan3A_289 : i32 to index
        %swap3A_464 = arith.constant 176 : index
        %swap3A_465 = tpu.vector_load %arg9[%swap3A_463, %swap3A_464] {strides = array<i32>} : memref<64x256xf32, #tpu.memory_space<vmem>>, vector<1x16xf32>,
        %swap3A_466 = vector.shape_cast %swap3A_465 : vector<1x16xf32> to vector<16xf32>
        %swap3A_467 = vector.shape_cast %add3A_462 : vector<16xf32> to vector<1x16xf32>
        tpu.vector_store %arg9[%swap3A_463, %swap3A_464], %swap3A_467 {strides = array<i32>} : memref<64x256xf32, #tpu.memory_space<vmem>>, vector<1x16xf32>,
        %get3A_468 = arith.index_cast %scan3A_289 : i32 to index
        %get3A_469 = arith.constant 192 : index
        %get3A_470 = tpu.vector_load %arg9[%get3A_468, %get3A_469] {strides = array<i32>} : memref<64x256xf32, #tpu.memory_space<vmem>>, vector<1x16xf32>,
        %get3A_471 = vector.shape_cast %get3A_470 : vector<1x16xf32> to vector<16xf32>
        %add3A_472 = arith.addi %mul3A_258, %scan3A_289 : i32
        %get3A_473 = arith.index_cast %add3A_472 : i32 to index
        %get3A_474 = arith.constant 192 : index
        %get3A_475 = tpu.vector_load %arg5[%get3A_473, %get3A_474] {strides = array<i32>} : memref<64x256xf32, #tpu.memory_space<vmem>>, vector<1x16xf32>,
        %get3A_476 = vector.shape_cast %get3A_475 : vector<1x16xf32> to vector<16xf32>
        %add3A_477 = arith.addf %get3A_471, %get3A_476 : vector<16xf32>
        %swap3A_478 = arith.index_cast %scan3A_289 : i32 to index
        %swap3A_479 = arith.constant 192 : index
        %swap3A_480 = tpu.vector_load %arg9[%swap3A_478, %swap3A_479] {strides = array<i32>} : memref<64x256xf32, #tpu.memory_space<vmem>>, vector<1x16xf32>,
        %swap3A_481 = vector.shape_cast %swap3A_480 : vector<1x16xf32> to vector<16xf32>
        %swap3A_482 = vector.shape_cast %add3A_477 : vector<16xf32> to vector<1x16xf32>
        tpu.vector_store %arg9[%swap3A_478, %swap3A_479], %swap3A_482 {strides = array<i32>} : memref<64x256xf32, #tpu.memory_space<vmem>>, vector<1x16xf32>,
        %get3A_483 = arith.index_cast %scan3A_289 : i32 to index
        %get3A_484 = arith.constant 208 : index
        %get3A_485 = tpu.vector_load %arg9[%get3A_483, %get3A_484] {strides = array<i32>} : memref<64x256xf32, #tpu.memory_space<vmem>>, vector<1x16xf32>,
        %get3A_486 = vector.shape_cast %get3A_485 : vector<1x16xf32> to vector<16xf32>
        %add3A_487 = arith.addi %mul3A_258, %scan3A_289 : i32
        %get3A_488 = arith.index_cast %add3A_487 : i32 to index
        %get3A_489 = arith.constant 208 : index
        %get3A_490 = tpu.vector_load %arg5[%get3A_488, %get3A_489] {strides = array<i32>} : memref<64x256xf32, #tpu.memory_space<vmem>>, vector<1x16xf32>,
        %get3A_491 = vector.shape_cast %get3A_490 : vector<1x16xf32> to vector<16xf32>
        %add3A_492 = arith.addf %get3A_486, %get3A_491 : vector<16xf32>
        %swap3A_493 = arith.index_cast %scan3A_289 : i32 to index
        %swap3A_494 = arith.constant 208 : index
        %swap3A_495 = tpu.vector_load %arg9[%swap3A_493, %swap3A_494] {strides = array<i32>} : memref<64x256xf32, #tpu.memory_space<vmem>>, vector<1x16xf32>,
        %swap3A_496 = vector.shape_cast %swap3A_495 : vector<1x16xf32> to vector<16xf32>
        %swap3A_497 = vector.shape_cast %add3A_492 : vector<16xf32> to vector<1x16xf32>
        tpu.vector_store %arg9[%swap3A_493, %swap3A_494], %swap3A_497 {strides = array<i32>} : memref<64x256xf32, #tpu.memory_space<vmem>>, vector<1x16xf32>,
        %get3A_498 = arith.index_cast %scan3A_289 : i32 to index
        %get3A_499 = arith.constant 224 : index
        %get3A_500 = tpu.vector_load %arg9[%get3A_498, %get3A_499] {strides = array<i32>} : memref<64x256xf32, #tpu.memory_space<vmem>>, vector<1x16xf32>,
        %get3A_501 = vector.shape_cast %get3A_500 : vector<1x16xf32> to vector<16xf32>
        %add3A_502 = arith.addi %mul3A_258, %scan3A_289 : i32
        %get3A_503 = arith.index_cast %add3A_502 : i32 to index
        %get3A_504 = arith.constant 224 : index
        %get3A_505 = tpu.vector_load %arg5[%get3A_503, %get3A_504] {strides = array<i32>} : memref<64x256xf32, #tpu.memory_space<vmem>>, vector<1x16xf32>,
        %get3A_506 = vector.shape_cast %get3A_505 : vector<1x16xf32> to vector<16xf32>
        %add3A_507 = arith.addf %get3A_501, %get3A_506 : vector<16xf32>
        %swap3A_508 = arith.index_cast %scan3A_289 : i32 to index
        %swap3A_509 = arith.constant 224 : index
        %swap3A_510 = tpu.vector_load %arg9[%swap3A_508, %swap3A_509] {strides = array<i32>} : memref<64x256xf32, #tpu.memory_space<vmem>>, vector<1x16xf32>,
        %swap3A_511 = vector.shape_cast %swap3A_510 : vector<1x16xf32> to vector<16xf32>
        %swap3A_512 = vector.shape_cast %add3A_507 : vector<16xf32> to vector<1x16xf32>
        tpu.vector_store %arg9[%swap3A_508, %swap3A_509], %swap3A_512 {strides = array<i32>} : memref<64x256xf32, #tpu.memory_space<vmem>>, vector<1x16xf32>,
        %get3A_513 = arith.index_cast %scan3A_289 : i32 to index
        %get3A_514 = arith.constant 240 : index
        %get3A_515 = tpu.vector_load %arg9[%get3A_513, %get3A_514] {strides = array<i32>} : memref<64x256xf32, #tpu.memory_space<vmem>>, vector<1x16xf32>,
        %get3A_516 = vector.shape_cast %get3A_515 : vector<1x16xf32> to vector<16xf32>
        %add3A_517 = arith.addi %mul3A_258, %scan3A_289 : i32
        %get3A_518 = arith.index_cast %add3A_517 : i32 to index
        %get3A_519 = arith.constant 240 : index
        %get3A_520 = tpu.vector_load %arg5[%get3A_518, %get3A_519] {strides = array<i32>} : memref<64x256xf32, #tpu.memory_space<vmem>>, vector<1x16xf32>,
        %get3A_521 = vector.shape_cast %get3A_520 : vector<1x16xf32> to vector<16xf32>
        %add3A_522 = arith.addf %get3A_516, %get3A_521 : vector<16xf32>
        %swap3A_523 = arith.index_cast %scan3A_289 : i32 to index
        %swap3A_524 = arith.constant 240 : index
        %swap3A_525 = tpu.vector_load %arg9[%swap3A_523, %swap3A_524] {strides = array<i32>} : memref<64x256xf32, #tpu.memory_space<vmem>>, vector<1x16xf32>,
        %swap3A_526 = vector.shape_cast %swap3A_525 : vector<1x16xf32> to vector<16xf32>
        %swap3A_527 = vector.shape_cast %add3A_522 : vector<16xf32> to vector<1x16xf32>
        tpu.vector_store %arg9[%swap3A_523, %swap3A_524], %swap3A_527 {strides = array<i32>} : memref<64x256xf32, #tpu.memory_space<vmem>>, vector<1x16xf32>,
      }
      %scan3A_264 = arith.constant 64 : i32
      %mul3A_265 = arith.constant 128 : i32
      %mul3A_266 = arith.muli %div3A_1, %mul3A_265 : i32
      %div3A_267 = arith.constant 1 : i32
      %div3A_268 = arith.divsi %add3A_248, %div3A_267 : i32
      %add3A_269 = arith.addi %mul3A_266, %div3A_268 : i32
      %mul3A_270 = arith.constant 256 : i32
      %mul3A_271 = arith.muli %add3A_269, %mul3A_270 : i32
      %mul3A_272 = arith.constant 64 : i32
      %mul3A_273 = arith.muli %rem3A_2, %mul3A_272 : i32
      %add3A_274 = arith.addi %mul3A_271, %mul3A_273 : i32
      %rem3A_275 = arith.constant 1 : i32
      %rem3A_276 = arith.remsi %add3A_248, %rem3A_275 : i32
      %mul3A_277 = arith.constant 64 : i32
      %mul3A_278 = arith.muli %rem3A_276, %mul3A_277 : i32
      %add3A_279 = arith.addi %add3A_274, %mul3A_278 : i32
      %dma_start3A_280 = arith.constant 0 : i32
      %dma_start3A_281 = tpu.memref_slice %arg4[%add3A_279, %dma_start3A_280] : memref<262144x256xf32, #tpu.memory_space<hbm>> -> memref<64x256xf32, #tpu.memory_space<hbm>>
      %dma_start3A_282 = arith.constant 0 : i32
      %dma_start3A_283 = tpu.memref_slice %arg4[%add3A_279, %dma_start3A_282] : memref<262144x256xf32, #tpu.memory_space<hbm>> -> memref<64x256xf32, #tpu.memory_space<hbm>>
      tpu.enqueue_dma source(%arg9 : memref<64x256xf32, #tpu.memory_space<vmem>>) target(%dma_start3A_283 : memref<64x256xf32, #tpu.memory_space<hbm>>) target_semaphore(%arg17 : memref<!tpu.dma_semaphore, #tpu.memory_space<semaphore_mem>>)
      %lt3A_284 = arith.constant 31 : i32
      %lt3A_285 = arith.cmpi slt, %scan3A_116, %lt3A_284 : i32
      %convert_element_type3A_286 = arith.extui %lt3A_285 : i1 to i32
      %cond3A_287 = arith.constant 0 : i32
      %cond3A_288 = arith.cmpi ne, %convert_element_type3A_286, %cond3A_287 : i32
      scf.if %cond3A_288 {
        %dma_wait3A_289 = arith.constant 0 : i32
        %dma_wait3A_290 = arith.constant 0 : i32
        %dma_wait3A_291 = tpu.memref_slice %arg4[%dma_wait3A_289, %dma_wait3A_290] : memref<262144x256xf32, #tpu.memory_space<hbm>> -> memref<64x256xf32, #tpu.memory_space<hbm>>
        %dma_wait3A_292 = arith.constant 0 : i32
        %dma_wait3A_293 = arith.constant 0 : i32
        %dma_wait3A_294 = tpu.memref_slice %arg4[%dma_wait3A_292, %dma_wait3A_293] : memref<262144x256xf32, #tpu.memory_space<hbm>> -> memref<64x256xf32, #tpu.memory_space<hbm>>
        tpu.wait_dma2 semaphore(%arg15 : memref<!tpu.dma_semaphore, #tpu.memory_space<semaphore_mem>>) src(%arg7 : memref<64x256xf32, #tpu.memory_space<vmem>>) dst(%dma_wait3A_294 : memref<64x256xf32, #tpu.memory_space<hbm>>)
        %add3A_295 = arith.constant 2 : i32
        %add3A_296 = arith.addi %add3A_248, %add3A_295 : i32
        %mul3A_297 = arith.constant 128 : i32
        %mul3A_298 = arith.muli %div3A_1, %mul3A_297 : i32
        %div3A_299 = arith.constant 1 : i32
        %div3A_300 = arith.divsi %add3A_296, %div3A_299 : i32
        %add3A_301 = arith.addi %mul3A_298, %div3A_300 : i32
        %mul3A_302 = arith.constant 256 : i32
        %mul3A_303 = arith.muli %add3A_301, %mul3A_302 : i32
        %mul3A_304 = arith.constant 64 : i32
        %mul3A_305 = arith.muli %rem3A_2, %mul3A_304 : i32
        %add3A_306 = arith.addi %mul3A_303, %mul3A_305 : i32
        %rem3A_307 = arith.constant 1 : i32
        %rem3A_308 = arith.remsi %add3A_296, %rem3A_307 : i32
        %mul3A_309 = arith.constant 64 : i32
        %mul3A_310 = arith.muli %rem3A_308, %mul3A_309 : i32
        %add3A_311 = arith.addi %add3A_306, %mul3A_310 : i32
        %dma_start3A_312 = arith.constant 0 : i32
        %dma_start3A_313 = tpu.memref_slice %arg2[%add3A_311, %dma_start3A_312] : memref<262144x256xf32, #tpu.memory_space<hbm>> -> memref<64x256xf32, #tpu.memory_space<hbm>>
        %dma_start3A_314 = arith.constant 0 : i32
        %dma_start3A_315 = tpu.memref_slice %arg2[%add3A_311, %dma_start3A_314] : memref<262144x256xf32, #tpu.memory_space<hbm>> -> memref<64x256xf32, #tpu.memory_space<hbm>>
        tpu.enqueue_dma source(%dma_start3A_315 : memref<64x256xf32, #tpu.memory_space<hbm>>) target(%arg7 : memref<64x256xf32, #tpu.memory_space<vmem>>) target_semaphore(%arg11 : memref<!tpu.dma_semaphore, #tpu.memory_space<semaphore_mem>>)
      } else {
      }
    }
    %scan3A_92 = arith.constant 32 : i32
    %dma_wait3A = arith.constant 0 : i32
    %dma_wait3A_93 = arith.constant 0 : i32
    %dma_wait3A_94 = tpu.memref_slice %arg4[%dma_wait3A, %dma_wait3A_93] : memref<262144x256xf32, #tpu.memory_space<hbm>> -> memref<64x256xf32, #tpu.memory_space<hbm>>
    %dma_wait3A_95 = arith.constant 0 : i32
    %dma_wait3A_96 = arith.constant 0 : i32
    %dma_wait3A_97 = tpu.memref_slice %arg4[%dma_wait3A_95, %dma_wait3A_96] : memref<262144x256xf32, #tpu.memory_space<hbm>> -> memref<64x256xf32, #tpu.memory_space<hbm>>
    tpu.wait_dma2 semaphore(%arg14 : memref<!tpu.dma_semaphore, #tpu.memory_space<semaphore_mem>>) src(%arg6 : memref<64x256xf32, #tpu.memory_space<vmem>>) dst(%dma_wait3A_97 : memref<64x256xf32, #tpu.memory_space<hbm>>)
    %dma_wait3A_98 = arith.constant 0 : i32
    %dma_wait3A_99 = arith.constant 0 : i32
    %dma_wait3A_100 = tpu.memref_slice %arg4[%dma_wait3A_98, %dma_wait3A_99] : memref<262144x256xf32, #tpu.memory_space<hbm>> -> memref<64x256xf32, #tpu.memory_space<hbm>>
    %dma_wait3A_101 = arith.constant 0 : i32
    %dma_wait3A_102 = arith.constant 0 : i32
    %dma_wait3A_103 = tpu.memref_slice %arg4[%dma_wait3A_101, %dma_wait3A_102] : memref<262144x256xf32, #tpu.memory_space<hbm>> -> memref<64x256xf32, #tpu.memory_space<hbm>>
    tpu.wait_dma2 semaphore(%arg15 : memref<!tpu.dma_semaphore, #tpu.memory_space<semaphore_mem>>) src(%arg7 : memref<64x256xf32, #tpu.memory_space<vmem>>) dst(%dma_wait3A_103 : memref<64x256xf32, #tpu.memory_space<hbm>>)
    %dma_wait3A_104 = arith.constant 0 : i32
    %dma_wait3A_105 = arith.constant 0 : i32
    %dma_wait3A_106 = tpu.memref_slice %arg4[%dma_wait3A_104, %dma_wait3A_105] : memref<262144x256xf32, #tpu.memory_space<hbm>> -> memref<64x256xf32, #tpu.memory_space<hbm>>
    %dma_wait3A_107 = arith.constant 0 : i32
    %dma_wait3A_108 = arith.constant 0 : i32
    %dma_wait3A_109 = tpu.memref_slice %arg4[%dma_wait3A_107, %dma_wait3A_108] : memref<262144x256xf32, #tpu.memory_space<hbm>> -> memref<64x256xf32, #tpu.memory_space<hbm>>
    tpu.wait_dma2 semaphore(%arg16 : memref<!tpu.dma_semaphore, #tpu.memory_space<semaphore_mem>>) src(%arg8 : memref<64x256xf32, #tpu.memory_space<vmem>>) dst(%dma_wait3A_109 : memref<64x256xf32, #tpu.memory_space<hbm>>)
    %dma_wait3A_110 = arith.constant 0 : i32
    %dma_wait3A_111 = arith.constant 0 : i32
    %dma_wait3A_112 = tpu.memref_slice %arg4[%dma_wait3A_110, %dma_wait3A_111] : memref<262144x256xf32, #tpu.memory_space<hbm>> -> memref<64x256xf32, #tpu.memory_space<hbm>>
    %dma_wait3A_113 = arith.constant 0 : i32
    %dma_wait3A_114 = arith.constant 0 : i32
    %dma_wait3A_115 = tpu.memref_slice %arg4[%dma_wait3A_113, %dma_wait3A_114] : memref<262144x256xf32, #tpu.memory_space<hbm>> -> memref<64x256xf32, #tpu.memory_space<hbm>>
    tpu.wait_dma2 semaphore(%arg17 : memref<!tpu.dma_semaphore, #tpu.memory_space<semaphore_mem>>) src(%arg9 : memref<64x256xf32, #tpu.memory_space<vmem>>) dst(%dma_wait3A_115 : memref<64x256xf32, #tpu.memory_space<hbm>>)
    return
  }
}

</mosaic_0001>

<sc_bundles>
// kernel: kernel.3.cloned.1.call-start
scs
__scs_entry_jumppad:
0x0: {  	(pc) =	sbr.rel $0x88, $3  }
0x1: {  	(tag) =	ssettag $0x0;
	lr =	simm.s32 $0x1  }
0x2: {  	[smem:$0x3F9F] =	sst lr;
	_ =	strace $0xD0000000  }
0x3: {  	_ = 	snop  }
0x4: {  	_ = 	snop  }
0x5: {  	_ = 	snop  }
0x6: {  	_ = 	snop  }
0x7: {  	_ = 	snop  }
__scs_overlays_trampoline_lowered:
0x8: {  	[smem:$0x3FAE] =	sst s0  }
0x9: {  	[smem:$0x3FAF] =	sst s1  }
0xa: {  	[smem:$0x3FB0] =	sst s2  }
0xb: {  	[smem:$0x3FB1] =	sst s3  }
0xc: {  	[smem:$0x3FB2] =	sst s4  }
0xd: {  	[smem:$0x3FB3] =	sst s5  }
0xe: {  	[smem:$0x3FB4] =	sst s6  }
0xf: {  	[smem:$0x3FB5] =	sst s7  }
0x10: {  	[smem:$0x3FB6] =	sst s8  }
0x11: {  	[smem:$0x3FB7] =	sst s9;
	s0 =	simm.s32 @!p0 $0x0  }
0x12: {  	s1 =	sld [smem:$0x3F9D];
	s0 =	simm.s32 @p0 $0x1  }
0x13: {  	[smem:$0x3FB8] =	sst s0;
	s0 =	simm.s32 @!p1 $0x0  }
0x14: {  	s2 =	sld [smem:$0x3F9C];
	s0 =	simm.s32 @p1 $0x1  }
0x15: {  	[smem:$0x3FB9] =	sst s0;
	s0 =	simm.s32 @!p2 $0x0  }
0x16: {  	s3 =	sld [smem:$0x3FDB];
	s0 =	simm.s32 @p2 $0x1  }
0x17: {  	s4 =	simm.s32 $0x1BF5;
	[smem:$0x3FBB] =	sst s0  }
0x18: {  	s0 =	sld [smem:$0x3F9E];
	_ =	swait.ge [sflag:s4], $0x0  }
0x19: {  	s7 =	sld [smem:$0x3F9F]  }
0x1a: {  	s8 =	sadd.s32 $0xFFFFE003, lr  }
0x1b: {  	s9 =	sadd.s32 $0xFFFFFEF7, lr;
	s5 =	simm.s32 $0xFFFFFFFF;
	p2 =	slt.u32 s8, $0xFFFFF086  }
0x1c: {  	p1 =	slt.u32 s9, $0xF7A;
	s5 =	simm.s32 @!p2 $0x0  }
0x1d: {  	s5 =	simm.s32 @p1 $0x1;
	p0 =	seq.s32 s7, s2  }
0x1e: {  	s7 =	smul.u32 @!p0 $0xF7A, s2;
	p2 =	seq.s32 @!p0 s5, $0x0  }
0x1f: {  	s9 =	smul.u32 $0xF7A, s1;
	s8 =	simm.s32 @!p0 $0x1BF5;
	p2 =	por !p2, p0  }
0x20: {  	[sflag:s8] =	ssyncset.s32 @!p0 $0xFFFFF086;
	s6 =	sadd.s32 @!p0 s3, s7;
	s7 =	simm.s32 @!p0 $0x108  }
0x21: {  	s3 =	sadd.s32 s3, s9;
	s6 =	sadd.s32 @!p0 $0x88, s6;
	s7 =	simm.s32 @p2 $0x1082  }
0x22: {  	[simem:s7], [sflag:s8] =	dma.local @!p0 [hbm:s6], $0xF7A  }
0x23: {  	s9 =	sor.u32 $0xD0000000, s2;
	s6 =	simm.s32 $0x108;
	_ =	swait.ge @!p0 [sflag:s8], $0x0  }
0x24: {  	s3 =	sadd.s32 $0x88, s3;
	s6 =	simm.s32 @!p1 $0x1082;
	[sflag:s4] =	ssyncset.s32 $0xFFFFF086  }
0x25: {  	[simem:s6], [sflag:s4] =	dma.local [hbm:s3], $0xF7A  }
0x26: {  	[smem:$0x3F9F] =	sst s1;
	(tag) =	ssettag s2;
	_ =	strace s9  }
0x27: {  	s1 =	sld [smem:$0x3FAF]  }
0x28: {  	s2 =	sld [smem:$0x3FB0]  }
0x29: {  	s4 =	sld [smem:$0x3FB2]  }
0x2a: {  	p0 =	seq.s32 s5, $0x0;
	s5 =	sld [smem:$0x3FB3]  }
0x2b: {  	s6 =	sld [smem:$0x3FB4]  }
0x2c: {  	s7 =	sld [smem:$0x3FB5]  }
0x2d: {  	s3 =	simm.s32 $0x108;
	s8 =	sld [smem:$0x3FB6]  }
0x2e: {  	s3 =	simm.s32 @!p0 $0x1082;
	s9 =	sld [smem:$0x3FB7]  }
0x2f: {  	lr =	sadd.s32 s0, s3;
	s0 =	sld [smem:$0x3FAE]  }
0x30: {  	s3 =	sld [smem:$0x3FB1]  }
0x31: {  	[smem:$0x3FBA] =	sst s10  }
0x32: {  	s10 =	sld [smem:$0x3FB8];
	_ =	sdelay $0x3  }
0x33: {  	p0 =	seq.s32 s10, $0x1;
	s10 =	sld [smem:$0x3FBA];
	_ =	sdelay $0x3  }
0x34: {  	[smem:$0x3FBA] =	sst s10  }
0x35: {  	s10 =	sld [smem:$0x3FB9];
	_ =	sdelay $0x3  }
0x36: {  	p1 =	seq.s32 s10, $0x1;
	s10 =	sld [smem:$0x3FBA];
	_ =	sdelay $0x3  }
0x37: {  	[smem:$0x3FBA] =	sst s10  }
0x38: {  	s10 =	sld [smem:$0x3FBB]  }
0x39: {  	_ = 	snop;
	(pc) =	sbr.ind lr, $3  }
0x3a: {  	_ = 	snop  }
0x3b: {  	_ = 	snop  }
0x3c: {  	p2 =	seq.s32 s10, $0x1;
	s10 =	sld [smem:$0x3FBA]  }
0x3d: {  	_ =	shalt  }
0x3e: {  	_ =	shalt  }
0x3f: {  	_ =	shalt  }
0x40: {  	_ =	shalt  }
0x41: {  	_ =	shalt  }
0x42: {  	_ =	shalt  }
0x43: {  	_ =	shalt  }
0x44: {  	_ =	shalt  }
0x45: {  	_ =	shalt  }
0x46: {  	_ =	shalt  }
0x47: {  	_ =	shalt  }
0x48: {  	_ =	shalt  }
0x49: {  	_ =	shalt  }
0x4a: {  	_ =	shalt  }
0x4b: {  	_ =	shalt  }
0x4c: {  	_ =	shalt  }
0x4d: {  	_ =	shalt  }
0x4e: {  	_ =	shalt  }
0x4f: {  	_ =	shalt  }
0x50: {  	_ =	shalt  }
0x51: {  	_ =	shalt  }
0x52: {  	_ =	shalt  }
0x53: {  	_ =	shalt  }
0x54: {  	_ =	shalt  }
0x55: {  	_ =	shalt  }
0x56: {  	_ =	shalt  }
0x57: {  	_ =	shalt  }
0x58: {  	_ =	shalt  }
0x59: {  	_ =	shalt  }
0x5a: {  	_ =	shalt  }
0x5b: {  	_ =	shalt  }
0x5c: {  	_ =	shalt  }
0x5d: {  	_ =	shalt  }
0x5e: {  	_ =	shalt  }
0x5f: {  	_ =	shalt  }
0x60: {  	_ =	shalt  }
0x61: {  	_ =	shalt  }
0x62: {  	_ =	shalt  }
0x63: {  	_ =	shalt  }
0x64: {  	_ =	shalt  }
0x65: {  	_ =	shalt  }
0x66: {  	_ =	shalt  }
0x67: {  	_ =	shalt  }
0x68: {  	_ =	shalt  }
0x69: {  	_ =	shalt  }
0x6a: {  	_ =	shalt  }
0x6b: {  	_ =	shalt  }
0x6c: {  	_ =	shalt  }
0x6d: {  	_ =	shalt  }
0x6e: {  	_ =	shalt  }
0x6f: {  	_ =	shalt  }
0x70: {  	_ =	shalt  }
0x71: {  	_ =	shalt  }
0x72: {  	_ =	shalt  }
0x73: {  	_ =	shalt  }
0x74: {  	_ =	shalt  }
0x75: {  	_ =	shalt  }
0x76: {  	_ =	shalt  }
0x77: {  	_ =	shalt  }
0x78: {  	_ =	shalt  }
0x79: {  	_ =	shalt  }
0x7a: {  	_ =	shalt  }
0x7b: {  	_ =	shalt  }
0x7c: {  	_ =	shalt  }
0x7d: {  	_ =	shalt  }
0x7e: {  	_ =	shalt  }
0x7f: {  	_ =	shalt  }
0x80: {  	_ =	shalt  }
0x81: {  	_ =	shalt  }
0x82: {  	_ =	shalt  }
0x83: {  	_ =	shalt  }
0x84: {  	_ =	shalt  }
0x85: {  	_ =	shalt  }
0x86: {  	_ =	shalt  }
0x87: {  	_ =	shalt  }
.Lfunc_end0:
.L_simem_size_0:
called_computation_lowered:
.L_overlay_start_0:
0x88: {  	s2 =	sld [smem:$0x3FD9]  }
0x89: {  	s3 =	sld [smem:$0x3FFE];
	_ =	sdelay $0x1  }
0x8a: {  	s1 =	srdreg.scid  }
0x8b: {  	s0 =	sand.u32 $0x1, s1  }
0x8c: {  	s17 =	sshll.u32 s0, $0xA;
	s2 =	sadd.s32 s3, s2  }
0x8d: {  	s2 =	sadd.s32 s2, s17  }
0x8e: {  	[smem:$0x3FC6] =	sst s2  }
0x8f: {  	_ = 	snop  }
0x90: {  	s2 =	sld [smem:$0x3FC9]  }
0x91: {  	s18 =	sld [smem:$0x3FD0];
	(tm) =	ssettm $0x1  }
0x92: {  	s4 =	sld [smem:$0x3FFB];
	_ =	sdelay $0x3  }
0x93: {  	_ =	strace s4  }
0x94: {  	s4 =	sld [smem:$0x3FFC];
	_ =	sdelay $0x3  }
0x95: {  	_ =	strace s4  }
0x96: {  	s4 =	sld [smem:$0x3FFD];
	_ =	sdelay $0x3  }
0x97: {  	_ =	strace s4  }
0x98: {  	_ =	strace $0x8FFFFFFF  }
0x99: {  	s19 =	sld [smem:$0x3FDB];
	_ =	sdelay $0x1  }
0x9a: {  	s5 =	simm.s32 $_scs_section_size  }
0x9b: {  	s6 =	simm.s32 $_size__tile_overlayer_lowered;
	s7 =	simm.s32 $_tile_overlayer_lowered  }
0x9c: {  	s22 =	simm.s32 $0x1BFF;
	s21 =	sshll.u32 s7, $0x1;
	s4 =	sadd.s32 s5, s19  }
0x9d: {  	s8 =	simm.s32 $0x0;
	s20 =	sshll.u32 s6, $0x1;
	s6 =	sadd.s32 s21, s4  }
0x9e: {  	[timem:s8], [sflag:s22] =	dma.local [hbm:s6], s20  }
0x9f: {  	_ =	swait.ge [sflag:s22], s20  }
0xa0: {  	s5 =	ssub.s32 $0x0, s20;
	[sflag:s22] =	ssyncset.done $0x0  }
0xa1: {  	[sflag:s22] =	ssyncadd.s32 s5;
	_ =	sdelay $0x1  }
0xa2: {  	s23 =	simm.s32 $0x1B8B  }
0xa3: {  	_ =	swait.ge [sflag:s23], $0x1  }
0xa4: {  	[sflag:s23] =	ssyncset.done $0x0  }
0xa5: {  	s25 =	simm.s32 $0x1B8E;
	s24 =	sld [smem:$0x3FFE];
	[sflag:s23] =	ssyncadd.s32 $0xFFFFFFFF  }
0xa6: {  	s26 =	simm.s32 $execute0_lowered;
	[smem:$0x3FD2] =	sst s25  }
0xa7: {  	s6 =	sshll.u32 s26, $0x1;
	_ =	strace $0x80000046;
	[dreg:$0x1] =	wrdreg $0xFFFFFFFF  }
0xa8: {  	s28 =	simm.s32 $_size_execute0_lowered;
	s4 =	sadd.s32 s4, s6;
	[dreg:$0x0] =	wrdreg $0x0  }
0xa9: {  	s6 =	sshll.u32 s28, $0x1;
	[dreg:$0x2] =	wrdreg s4  }
0xaa: {  	[dreg:$0x3] =	wrdreg s6  }
0xab: {  	[dreg:$0x4] =	wrdreg $0xC0  }
0xac: {  	_ =	task [dreg:s8], $0x5FFFF  }
0xad: {  	[dreg:$0x1] =	wrdreg $0xFFFFFFFF  }
0xae: {  	[dreg:$0x0] =	wrdreg $0x60  }
0xaf: {  	[dreg:$0x2] =	wrdreg s2  }
0xb0: {  	[dreg:$0x3] =	wrdreg s24  }
0xb1: {  	[dreg:$0x4] =	wrdreg s18  }
0xb2: {  	[dreg:$0x5] =	wrdreg $0x9  }
0xb3: {  	_ =	task.clear_ibuf [dreg:s8], $0x6FFFF;
	_ =	strace $0x90000046  }
0xb4: {  	s29 =	simm.s32 $0x9;
	_ =	strace $0x80000048  }
0xb5: {  	_ =	swait.ge [sflag:s29], $0x1  }
0xb6: {  	[sflag:s29] =	ssyncadd.s32 $0xFFFFFFFF  }
0xb7: {  	_ =	strace $0x90000048  }
0xb8: {  	_ =	sfence  }
0xb9: {  	s30 =	sld [smem:$0x0];
	_ =	sdelay $0x2  }
0xba: {  	s31 =	sshll.u32 s1, $0xD;
	s1 =	sshrl.u32 s1, $0x2  }
0xbb: {  	s3 =	sand.u32 $0x4000, s31;
	s1 =	sadd.s32 s1, s30  }
0xbc: {  	s0 =	sor.u32 s3, s0;
	s1 =	sshll.u32 s1, $0x11  }
0xbd: {  	s0 =	sor.u32 s1, s0  }
0xbe: {  	s0 =	sadd.s32 $0x8F2B, s0  }
0xbf: {  	[sflag:s0] =	ssyncadd.remote.s32 $0x1  }
0xc0: {  	_ =	sfence.sel $0xFFFF  }
0xc1: {  	[dreg:$0x0] =	wrdreg $0xFFFFFFFF;
	(pc) =	sbr.abs _section_cstart, $3  }
0xc2: {  	[dreg:$0x1] =	wrdreg $0xFFFFFFFF  }
0xc3: {  	_ =	task.clear_ibuf [dreg:s8], $0x2FFFF;
	_ =	strace $0x9FFFFFFF  }
0xc4: {  	(tm) =	ssettm $0x7FFFFFFF  }
0xc5: {  	_ =	shalt  }
tec
execute0_lowered:
.L_overlay_start_1:
0x0: {  	(tag) =	ssettag $0x1  }
0x1: {  	s0 =	rddreg [dreg:$0x0]  }
0x2: {  	s1 =	rddreg [dreg:$0x1]  }
0x3: {  	s3 =	rddreg [dreg:$0x2]  }
0x4: {  	s2 =	simm.s32 $0x0;
	s6 =	stileid.u32;
	s4 =	srdreg.scid  }
0x5: {  	s14 =	simm.s32 $0x9;
	s15 =	simm.s32 $0x4000;
	s16 =	simm.s32 $0x8000  }
0x6: {  	s17 =	simm.s32 $0xC000;
	s18 =	simm.s32 $0x10000;
	s19 =	simm.s32 $0x1  }
0x7: {  	s20 =	simm.s32 $0x2;
	s21 =	simm.s32 $0x3;
	s22 =	simm.s32 $0x4  }
0x8: {  	s23 =	simm.s32 $0x5;
	s24 =	simm.s32 $0x6;
	s25 =	simm.s32 $0x7  }
0x9: {  	s28 =	simm.s32 $0x0;
	[smem:$0x7FF] =	sst s2;
	s5 =	sshll.u32 s6, $0x1  }
0xa: {  	s4 =	sand.u32 $0x1, s4;
	s6 =	sshrl.u32 s6, $0x1;
	s5 =	sand.u32 $0x2, s5  }
0xb: {  	_ =	strace $0x80000047;
	s7 =	sshll.u32 s6, $0x14;
	s5 =	sor.u32 s4, s5  }
0xc: {  	s4 =	ssub.s32 $0x2, s4;
	s30 =	sadd.s32 s0, s7;
	s10 =	sshll.u32 s5, $0xB  }
0xd: {  	s26 =	sshrl.u32 s4, $0x1;
	s5 =	sshll.u32 s6, $0x7;
	s1 =	sadd.s32 s10, s1  }
0xe: {  	s13 =	ssub.s32 s4, s26;
	s29 =	sor.u32 s7, s10;
	s9 =	sadd.s32 s3, s10  }
.Ltmp0:
0xf: {  	s11 =	sor.u32 $0x4, s5;
	s12 =	sor.u32 $0x5, s5;
	(pc) =	sbr.rel .LBB2_1-.Ltmp0, $4  }
0x10: {  	s26 =	simm.s32 $0x8;
	s1 =	sadd.s32 $0x400, s1;
	s8 =	sadd.s32 s29, s0  }
0x11: {  	s13 =	smax.u32 s13, $0x1;
	[dreg:$0x4] =	wrdreg s1;
	s1 =	sadd.s32 s10, s30  }
0x12: {  	s31 =	sadd.s32 $0x2000, s8;
	s7 =	sadd.s32 $0x4000, s8;
	[dreg:$0x5] =	wrdreg s1  }
0x13: {  	s8 =	sadd.s32 $0x6000, s8;
	s10 =	sadd.s32 s0, s10;
	[dreg:$0x6] =	wrdreg s31  }
.LBB2_12:
0x14: {  	_ =	swait.ge [sflag:s23], $0x4000  }
0x15: {  	[sflag:s23] =	ssyncset.done $0x0  }
0x16: {  	[sflag:s23] =	ssyncadd.s32 $0xFFFFC000  }
0x17: {  	_ =	swait.ge [sflag:s24], $0x4000  }
0x18: {  	[sflag:s24] =	ssyncset.done $0x0  }
0x19: {  	s28 =	sadd.s32 $0x1, s28;
	[sflag:s24] =	ssyncadd.s32 $0xFFFFC000  }
0x1a: {  	p0 =	sne.s32 s28, s13;
	_ =	swait.ge [sflag:s25], $0x4000  }
.Ltmp1:
0x1b: {  	[sflag:s25] =	ssyncset.done $0x0;
	(pc) =	sbr.rel @!p0 .LBB2_13-.Ltmp1, $4  }
0x1c: {  	[sflag:s25] =	ssyncadd.s32 $0xFFFFC000  }
0x1d: {  	_ =	swait.ge [sflag:s26], $0x4000  }
0x1e: {  	[sflag:s26] =	ssyncset.done $0x0  }
0x1f: {  	[sflag:s26] =	ssyncadd.s32 $0xFFFFC000  }
.LBB2_1:
0x20: {  	s0 =	rddreg [dreg:$0x4]  }
0x21: {  	[tilespmem:s2], [sflag:$0x9] =	stream.linear.gather [hbm4b:s0+s2], $0x4000, $0x38;
	[tilespmem:$0x14000] =	vst v63  }
0x22: {  	_ =	swait.ge [sflag:s14], $0x4000  }
0x23: {  	[sflag:s14] =	ssyncset.done $0x0  }
0x24: {  	s30 =	rddreg [dreg:$0x5];
	[sflag:s14] =	ssyncadd.s32 $0xFFFFC000  }
0x25: {  	[tilespmem:s15], [sflag:$0x1] =	stream.linear.gather [hbm4b:s30+s2], $0x4000, $0x38;
	[tilespmem:$0x14000] =	vst v63  }
0x26: {  	s31 =	rddreg [dreg:$0x6]  }
0x27: {  	[tilespmem:s16], [sflag:$0x2] =	stream.linear.gather [hbm4b:s31+s2], $0x4000, $0x38;
	[tilespmem:$0x14000] =	vst v63  }
0x28: {  	_ = 	snop  }
0x29: {  	[tilespmem:s17], [sflag:$0x3] =	stream.linear.gather [hbm4b:s7+s2], $0x4000, $0x38;
	[tilespmem:$0x14000] =	vst v63  }
0x2a: {  	s29 =	simm.s32 $0x0  }
0x2b: {  	[tilespmem:s18], [sflag:$0x4] =	stream.linear.gather [hbm4b:s8+s2], $0x4000, $0x38;
	[tilespmem:$0x14000] =	vst v63  }
.LBB2_2:
0x2c: {  	_ =	swait.ge [sflag:s19], $0x4000;
	s0 =	simm.s32 $0x0  }
0x2d: {  	[sflag:s19] =	ssyncset.done $0x0;
	s1 =	sand.u32 $0x3800, s0;
	s0 =	sand.u32 $0x380, s0  }
0x2e: {  	[sflag:s19] =	ssyncadd.s32 $0xFFFFC000;
	s0 =	sor.u32 s0, s1  }
0x2f: {  	v7 =	vld [tilespmem:s0+$0x0]  }
0x30: {  	v8 =	vld [tilespmem:s0+$0x10]  }
0x31: {  	v9 =	vld [tilespmem:s0+$0x20]  }
0x32: {  	v10 =	vld [tilespmem:s0+$0x30]  }
0x33: {  	v11 =	vld [tilespmem:s0+$0x40]  }
0x34: {  	v12 =	vld [tilespmem:s0+$0x50]  }
0x35: {  	v13 =	vld [tilespmem:s0+$0x60]  }
0x36: {  	v14 =	vld [tilespmem:s0+$0x70]  }
0x37: {  	v15 =	vld [tilespmem:s0+$0x400]  }
0x38: {  	v6 =	vld [tilespmem:s0+$0x410]  }
0x39: {  	v5 =	vld [tilespmem:s0+$0x420]  }
0x3a: {  	v4 =	vld [tilespmem:s0+$0x430]  }
0x3b: {  	v3 =	vld [tilespmem:s0+$0x440]  }
0x3c: {  	v2 =	vld [tilespmem:s0+$0x450]  }
0x3d: {  	v1 =	vld [tilespmem:s0+$0x460]  }
0x3e: {  	v0 =	vld [tilespmem:s0+$0x470]  }
0x3f: {  	v16 =	vld [tilespmem:s0+$0x4000]  }
0x40: {  	v17 =	vld [tilespmem:s0+$0x4010]  }
0x41: {  	v18 =	vld [tilespmem:s0+$0x4020]  }
0x42: {  	v19 =	vld [tilespmem:s0+$0x4030]  }
0x43: {  	v20 =	vld [tilespmem:s0+$0x4040]  }
0x44: {  	v60 =	vld [tilespmem:s0+$0x4050];
	v7 =	vadd.f32 v7, v16  }
0x45: {  	v61 =	vld [tilespmem:s0+$0x4060];
	v8 =	vadd.f32 v8, v17  }
0x46: {  	v62 =	vld [tilespmem:s0+$0x4070];
	[tilespmem:s0+$0x4000] =	vst v7;
	v7 =	vadd.f32 v9, v18  }
0x47: {  	v63 =	vld [tilespmem:s0+$0x4400];
	[tilespmem:s0+$0x4010] =	vst v8;
	v8 =	vadd.f32 v10, v19  }
0x48: {  	v10 =	vld [tilespmem:s0+$0x4410];
	[tilespmem:s0+$0x4020] =	vst v7;
	v7 =	vadd.f32 v11, v20  }
0x49: {  	v9 =	vld [tilespmem:s0+$0x4420];
	[tilespmem:s0+$0x4030] =	vst v8;
	v8 =	vadd.f32 v12, v60  }
0x4a: {  	v11 =	vadd.f32 v13, v61;
	[tilespmem:s0+$0x4040] =	vst v7;
	v7 =	vld [tilespmem:s0+$0x4430]  }
0x4b: {  	v13 =	vadd.f32 v14, v62;
	[tilespmem:s0+$0x4050] =	vst v8;
	v8 =	vld [tilespmem:s0+$0x4440]  }
0x4c: {  	s30 =	simm.s32 $0x100;
	s1 =	simm.s32 $0x80;
	v12 =	vadd.f32 v15, v63;
	[tilespmem:s0+$0x4060] =	vst v11;
	v11 =	vld [tilespmem:s0+$0x4450]  }
.LBB2_3:
0x4d: {  	s3 =	sand.u32 $0x3800, s30;
	s31 =	sand.u32 $0x380, s1;
	p0 =	sne.s32 s30, $0x3F00;
	[tilespmem:s0+$0x4070] =	vst v13;
	v6 =	vadd.f32 v6, v10;
	v10 =	vld [tilespmem:s0+$0x4460]  }
0x4e: {  	s3 =	sor.u32 s31, s3;
	[tilespmem:s0+$0x4400] =	vst v12;
	v5 =	vadd.f32 v5, v9;
	v9 =	vld [tilespmem:s0+$0x4470]  }
0x4f: {  	v12 =	vld [tilespmem:s3+$0x0];
	[tilespmem:s0+$0x4410] =	vst v6;
	v4 =	vadd.f32 v4, v7  }
0x50: {  	v7 =	vld [tilespmem:s3+$0x10];
	[tilespmem:s0+$0x4420] =	vst v5;
	v3 =	vadd.f32 v3, v8  }
0x51: {  	v8 =	vld [tilespmem:s3+$0x20];
	[tilespmem:s0+$0x4430] =	vst v4;
	v2 =	vadd.f32 v2, v11  }
0x52: {  	v11 =	vld [tilespmem:s3+$0x30];
	[tilespmem:s0+$0x4440] =	vst v3;
	v1 =	vadd.f32 v1, v10  }
0x53: {  	v10 =	vld [tilespmem:s3+$0x40];
	[tilespmem:s0+$0x4450] =	vst v2;
	v0 =	vadd.f32 v0, v9  }
0x54: {  	v9 =	vld [tilespmem:s3+$0x50];
	[tilespmem:s0+$0x4460] =	vst v1  }
0x55: {  	v13 =	vld [tilespmem:s3+$0x60];
	[tilespmem:s0+$0x4470] =	vst v0;
	s0 =	smov.u32 s3  }
0x56: {  	v14 =	vld [tilespmem:s0+$0x70]  }
0x57: {  	v15 =	vld [tilespmem:s0+$0x400]  }
0x58: {  	v6 =	vld [tilespmem:s0+$0x410]  }
0x59: {  	v5 =	vld [tilespmem:s0+$0x420]  }
0x5a: {  	v4 =	vld [tilespmem:s0+$0x430]  }
0x5b: {  	v3 =	vld [tilespmem:s0+$0x440]  }
0x5c: {  	v2 =	vld [tilespmem:s0+$0x450]  }
0x5d: {  	v1 =	vld [tilespmem:s0+$0x460]  }
0x5e: {  	v0 =	vld [tilespmem:s0+$0x470]  }
0x5f: {  	v16 =	vld [tilespmem:s0+$0x4000]  }
0x60: {  	v17 =	vld [tilespmem:s0+$0x4010]  }
0x61: {  	v18 =	vld [tilespmem:s0+$0x4020]  }
0x62: {  	v19 =	vld [tilespmem:s0+$0x4030]  }
0x63: {  	v20 =	vld [tilespmem:s0+$0x4040]  }
0x64: {  	v12 =	vadd.f32 v12, v16;
	v16 =	vld [tilespmem:s0+$0x4050]  }
0x65: {  	v7 =	vadd.f32 v7, v17;
	v17 =	vld [tilespmem:s0+$0x4060]  }
0x66: {  	[tilespmem:s0+$0x4000] =	vst v12;
	v8 =	vadd.f32 v8, v18;
	v12 =	vld [tilespmem:s0+$0x4070]  }
0x67: {  	[tilespmem:s0+$0x4010] =	vst v7;
	v7 =	vadd.f32 v11, v19;
	v11 =	vld [tilespmem:s0+$0x4400]  }
.Ltmp2:
0x68: {  	[tilespmem:s0+$0x4020] =	vst v8;
	v8 =	vadd.f32 v10, v20;
	v10 =	vld [tilespmem:s0+$0x4410];
	(pc) =	sbr.rel @p0 .LBB2_3-.Ltmp2, $4  }
0x69: {  	[tilespmem:s0+$0x4030] =	vst v7;
	v16 =	vadd.f32 v9, v16;
	v9 =	vld [tilespmem:s0+$0x4420]  }
0x6a: {  	[tilespmem:s0+$0x4040] =	vst v8;
	v17 =	vadd.f32 v13, v17;
	v7 =	vld [tilespmem:s0+$0x4430]  }
0x6b: {  	[tilespmem:s0+$0x4050] =	vst v16;
	v13 =	vadd.f32 v14, v12;
	v8 =	vld [tilespmem:s0+$0x4440]  }
0x6c: {  	s1 =	sadd.s32 $0x80, s1;
	s30 =	sadd.s32 $0x100, s30;
	[tilespmem:s0+$0x4060] =	vst v17;
	v12 =	vadd.f32 v15, v11;
	v11 =	vld [tilespmem:s0+$0x4450]  }
0x6d: {  	[tilespmem:s0+$0x4070] =	vst v13;
	v6 =	vadd.f32 v6, v10;
	v10 =	vld [tilespmem:s0+$0x4460]  }
0x6e: {  	[tilespmem:s0+$0x4400] =	vst v12;
	v5 =	vadd.f32 v5, v9;
	v9 =	vld [tilespmem:s0+$0x4470]  }
0x6f: {  	[tilespmem:s0+$0x4410] =	vst v6;
	v4 =	vadd.f32 v4, v7  }
0x70: {  	[tilespmem:s0+$0x4420] =	vst v5;
	v3 =	vadd.f32 v3, v8  }
0x71: {  	[tilespmem:s0+$0x4430] =	vst v4;
	v2 =	vadd.f32 v2, v11  }
0x72: {  	s30 =	sshll.u32 s29, $0x2;
	[tilespmem:s0+$0x4440] =	vst v3;
	v1 =	vadd.f32 v1, v10  }
0x73: {  	s1 =	sadd.s32 s5, s30;
	[tilespmem:s0+$0x4450] =	vst v2;
	v0 =	vadd.f32 v0, v9  }
0x74: {  	p0 =	seq.s32 s29, $0x0;
	s1 =	sshll.u32 s1, $0xD;
	[tilespmem:s0+$0x4460] =	vst v1  }
0x75: {  	s3 =	sadd.s32 s1, s9;
	[tilespmem:s0+$0x4470] =	vst v0;
	s0 =	simm.s32 @!p0 $0x7  }
0x76: {  	[hbm4b:s3+s2] =	stream.linear.scatter [tilespmem:s15], [sflag:$0x5], $0x4000, $0x38;
	[tilespmem:$0x14000] =	vst v63  }
0x77: {  	s1 =	sadd.s32 @!p0 s30, s5;
	_ =	swait.ge @!p0 [sflag:s0], $0x4000  }
0x78: {  	s1 =	sshll.u32 @!p0 s1, $0xD;
	[sflag:s0] =	ssyncset.done @!p0 $0x0  }
0x79: {  	[sflag:s0] =	ssyncadd.s32 @!p0 $0xFFFFC000;
	s0 =	sadd.s32 @!p0 s10, s1  }
0x7a: {  	s31 =	simm.s32 @!p0 $0xC000;
	s3 =	simm.s32 @!p0 $0x0;
	s1 =	sadd.s32 @!p0 $0x4000, s0  }
0x7b: {  	[tilespmem:s31], [sflag:$0x3] =	stream.linear.gather @!p0 [hbm4b:s1+s3], $0x4000, $0x38;
	[tilespmem:$0x14000] =	vst v63  }
0x7c: {  	s4 =	simm.s32 $0x0;
	_ =	swait.ge [sflag:s20], $0x4000  }
0x7d: {  	s6 =	sand.u32 $0x3800, s4;
	s1 =	sand.u32 $0x380, s4;
	[sflag:s20] =	ssyncset.done $0x0  }
0x7e: {  	s1 =	sor.u32 s1, s6;
	[sflag:s20] =	ssyncadd.s32 $0xFFFFC000  }
0x7f: {  	v7 =	vld [tilespmem:s1+$0x0]  }
0x80: {  	v8 =	vld [tilespmem:s1+$0x10]  }
0x81: {  	v9 =	vld [tilespmem:s1+$0x20]  }
0x82: {  	v10 =	vld [tilespmem:s1+$0x30]  }
0x83: {  	v11 =	vld [tilespmem:s1+$0x40]  }
0x84: {  	v12 =	vld [tilespmem:s1+$0x50]  }
0x85: {  	v13 =	vld [tilespmem:s1+$0x60]  }
0x86: {  	v14 =	vld [tilespmem:s1+$0x70]  }
0x87: {  	v15 =	vld [tilespmem:s1+$0x400]  }
0x88: {  	v6 =	vld [tilespmem:s1+$0x410]  }
0x89: {  	v5 =	vld [tilespmem:s1+$0x420]  }
0x8a: {  	v4 =	vld [tilespmem:s1+$0x430]  }
0x8b: {  	v3 =	vld [tilespmem:s1+$0x440]  }
0x8c: {  	v2 =	vld [tilespmem:s1+$0x450]  }
0x8d: {  	v1 =	vld [tilespmem:s1+$0x460]  }
0x8e: {  	v0 =	vld [tilespmem:s1+$0x470]  }
0x8f: {  	v16 =	vld [tilespmem:s1+$0x8000]  }
0x90: {  	v17 =	vld [tilespmem:s1+$0x8010]  }
0x91: {  	v18 =	vld [tilespmem:s1+$0x8020]  }
0x92: {  	v19 =	vld [tilespmem:s1+$0x8030]  }
0x93: {  	v20 =	vld [tilespmem:s1+$0x8040]  }
0x94: {  	v60 =	vld [tilespmem:s1+$0x8050];
	v7 =	vadd.f32 v7, v16  }
0x95: {  	v61 =	vld [tilespmem:s1+$0x8060];
	v8 =	vadd.f32 v8, v17  }
0x96: {  	v62 =	vld [tilespmem:s1+$0x8070];
	[tilespmem:s1+$0x8000] =	vst v7;
	v7 =	vadd.f32 v9, v18  }
0x97: {  	v63 =	vld [tilespmem:s1+$0x8400];
	[tilespmem:s1+$0x8010] =	vst v8;
	v8 =	vadd.f32 v10, v19  }
0x98: {  	v10 =	vld [tilespmem:s1+$0x8410];
	[tilespmem:s1+$0x8020] =	vst v7;
	v7 =	vadd.f32 v11, v20  }
0x99: {  	v9 =	vld [tilespmem:s1+$0x8420];
	[tilespmem:s1+$0x8030] =	vst v8;
	v8 =	vadd.f32 v12, v60  }
0x9a: {  	v11 =	vadd.f32 v13, v61;
	[tilespmem:s1+$0x8040] =	vst v7;
	v7 =	vld [tilespmem:s1+$0x8430]  }
0x9b: {  	v13 =	vadd.f32 v14, v62;
	[tilespmem:s1+$0x8050] =	vst v8;
	v8 =	vld [tilespmem:s1+$0x8440]  }
0x9c: {  	s31 =	simm.s32 $0x80;
	s3 =	simm.s32 $0x100;
	v12 =	vadd.f32 v15, v63;
	[tilespmem:s1+$0x8060] =	vst v11;
	v11 =	vld [tilespmem:s1+$0x8450]  }
.LBB2_5:
0x9d: {  	s4 =	sand.u32 $0x3800, s3;
	s6 =	sand.u32 $0x380, s31;
	p1 =	sne.s32 s3, $0x3F00;
	[tilespmem:s1+$0x8070] =	vst v13;
	v6 =	vadd.f32 v6, v10;
	v10 =	vld [tilespmem:s1+$0x8460]  }
0x9e: {  	s4 =	sor.u32 s6, s4;
	[tilespmem:s1+$0x8400] =	vst v12;
	v5 =	vadd.f32 v5, v9;
	v9 =	vld [tilespmem:s1+$0x8470]  }
0x9f: {  	v12 =	vld [tilespmem:s4+$0x0];
	[tilespmem:s1+$0x8410] =	vst v6;
	v4 =	vadd.f32 v4, v7  }
0xa0: {  	v7 =	vld [tilespmem:s4+$0x10];
	[tilespmem:s1+$0x8420] =	vst v5;
	v3 =	vadd.f32 v3, v8  }
0xa1: {  	v8 =	vld [tilespmem:s4+$0x20];
	[tilespmem:s1+$0x8430] =	vst v4;
	v2 =	vadd.f32 v2, v11  }
0xa2: {  	v11 =	vld [tilespmem:s4+$0x30];
	[tilespmem:s1+$0x8440] =	vst v3;
	v1 =	vadd.f32 v1, v10  }
0xa3: {  	v10 =	vld [tilespmem:s4+$0x40];
	[tilespmem:s1+$0x8450] =	vst v2;
	v0 =	vadd.f32 v0, v9  }
0xa4: {  	v9 =	vld [tilespmem:s4+$0x50];
	[tilespmem:s1+$0x8460] =	vst v1  }
0xa5: {  	v13 =	vld [tilespmem:s4+$0x60];
	[tilespmem:s1+$0x8470] =	vst v0;
	s1 =	smov.u32 s4  }
0xa6: {  	v14 =	vld [tilespmem:s1+$0x70]  }
0xa7: {  	v15 =	vld [tilespmem:s1+$0x400]  }
0xa8: {  	v6 =	vld [tilespmem:s1+$0x410]  }
0xa9: {  	v5 =	vld [tilespmem:s1+$0x420]  }
0xaa: {  	v4 =	vld [tilespmem:s1+$0x430]  }
0xab: {  	v3 =	vld [tilespmem:s1+$0x440]  }
0xac: {  	v2 =	vld [tilespmem:s1+$0x450]  }
0xad: {  	v1 =	vld [tilespmem:s1+$0x460]  }
0xae: {  	v0 =	vld [tilespmem:s1+$0x470]  }
0xaf: {  	v16 =	vld [tilespmem:s1+$0x8000]  }
0xb0: {  	v17 =	vld [tilespmem:s1+$0x8010]  }
0xb1: {  	v18 =	vld [tilespmem:s1+$0x8020]  }
0xb2: {  	v19 =	vld [tilespmem:s1+$0x8030]  }
0xb3: {  	v20 =	vld [tilespmem:s1+$0x8040]  }
0xb4: {  	v12 =	vadd.f32 v12, v16;
	v16 =	vld [tilespmem:s1+$0x8050]  }
0xb5: {  	v7 =	vadd.f32 v7, v17;
	v17 =	vld [tilespmem:s1+$0x8060]  }
0xb6: {  	[tilespmem:s1+$0x8000] =	vst v12;
	v8 =	vadd.f32 v8, v18;
	v12 =	vld [tilespmem:s1+$0x8070]  }
0xb7: {  	[tilespmem:s1+$0x8010] =	vst v7;
	v7 =	vadd.f32 v11, v19;
	v11 =	vld [tilespmem:s1+$0x8400]  }
.Ltmp3:
0xb8: {  	[tilespmem:s1+$0x8020] =	vst v8;
	v8 =	vadd.f32 v10, v20;
	v10 =	vld [tilespmem:s1+$0x8410];
	(pc) =	sbr.rel @p1 .LBB2_5-.Ltmp3, $4  }
0xb9: {  	[tilespmem:s1+$0x8030] =	vst v7;
	v16 =	vadd.f32 v9, v16;
	v9 =	vld [tilespmem:s1+$0x8420]  }
0xba: {  	[tilespmem:s1+$0x8040] =	vst v8;
	v17 =	vadd.f32 v13, v17;
	v7 =	vld [tilespmem:s1+$0x8430]  }
0xbb: {  	[tilespmem:s1+$0x8050] =	vst v16;
	v13 =	vadd.f32 v14, v12;
	v8 =	vld [tilespmem:s1+$0x8440]  }
0xbc: {  	s31 =	sadd.s32 $0x80, s31;
	s3 =	sadd.s32 $0x100, s3;
	[tilespmem:s1+$0x8060] =	vst v17;
	v12 =	vadd.f32 v15, v11;
	v11 =	vld [tilespmem:s1+$0x8450]  }
0xbd: {  	[tilespmem:s1+$0x8070] =	vst v13;
	v6 =	vadd.f32 v6, v10;
	v10 =	vld [tilespmem:s1+$0x8460]  }
0xbe: {  	[tilespmem:s1+$0x8400] =	vst v12;
	v5 =	vadd.f32 v5, v9;
	v9 =	vld [tilespmem:s1+$0x8470]  }
0xbf: {  	[tilespmem:s1+$0x8410] =	vst v6;
	v4 =	vadd.f32 v4, v7  }
0xc0: {  	[tilespmem:s1+$0x8420] =	vst v5;
	v3 =	vadd.f32 v3, v8  }
0xc1: {  	[tilespmem:s1+$0x8430] =	vst v4;
	v2 =	vadd.f32 v2, v11  }
0xc2: {  	s3 =	sadd.s32 s30, s5;
	[tilespmem:s1+$0x8440] =	vst v3;
	v1 =	vadd.f32 v1, v10  }
0xc3: {  	s3 =	sshll.u32 s3, $0xD;
	[tilespmem:s1+$0x8450] =	vst v2;
	v0 =	vadd.f32 v0, v9  }
0xc4: {  	s31 =	sadd.s32 s9, s3;
	[tilespmem:s1+$0x8460] =	vst v1  }
0xc5: {  	s3 =	sadd.s32 $0x2000, s31;
	[tilespmem:s1+$0x8470] =	vst v0;
	s1 =	simm.s32 @!p0 $0x8  }
0xc6: {  	[hbm4b:s3+s2] =	stream.linear.scatter [tilespmem:s16], [sflag:$0x6], $0x4000, $0x38;
	[tilespmem:$0x14000] =	vst v63  }
0xc7: {  	_ =	swait.ge @!p0 [sflag:s1], $0x4000  }
0xc8: {  	s0 =	sadd.s32 @!p0 $0x6000, s0;
	[sflag:s1] =	ssyncset.done @!p0 $0x0  }
0xc9: {  	s3 =	simm.s32 @!p0 $0x10000;
	[sflag:s1] =	ssyncadd.s32 @!p0 $0xFFFFC000;
	s1 =	simm.s32 @!p0 $0x0  }
0xca: {  	[tilespmem:s3], [sflag:$0x4] =	stream.linear.gather @!p0 [hbm4b:s0+s1], $0x4000, $0x38;
	[tilespmem:$0x14000] =	vst v63  }
0xcb: {  	s4 =	simm.s32 $0x0;
	_ =	swait.ge [sflag:s21], $0x4000  }
0xcc: {  	s6 =	sand.u32 $0x3800, s4;
	s0 =	sand.u32 $0x380, s4;
	[sflag:s21] =	ssyncset.done $0x0  }
0xcd: {  	s0 =	sor.u32 s0, s6;
	[sflag:s21] =	ssyncadd.s32 $0xFFFFC000  }
0xce: {  	v7 =	vld [tilespmem:s0+$0x0]  }
0xcf: {  	v8 =	vld [tilespmem:s0+$0x10]  }
0xd0: {  	v9 =	vld [tilespmem:s0+$0x20]  }
0xd1: {  	v10 =	vld [tilespmem:s0+$0x30]  }
0xd2: {  	v11 =	vld [tilespmem:s0+$0x40]  }
0xd3: {  	v12 =	vld [tilespmem:s0+$0x50]  }
0xd4: {  	v13 =	vld [tilespmem:s0+$0x60]  }
0xd5: {  	v14 =	vld [tilespmem:s0+$0x70]  }
0xd6: {  	v15 =	vld [tilespmem:s0+$0x400]  }
0xd7: {  	v6 =	vld [tilespmem:s0+$0x410]  }
0xd8: {  	v5 =	vld [tilespmem:s0+$0x420]  }
0xd9: {  	v4 =	vld [tilespmem:s0+$0x430]  }
0xda: {  	v3 =	vld [tilespmem:s0+$0x440]  }
0xdb: {  	v2 =	vld [tilespmem:s0+$0x450]  }
0xdc: {  	v1 =	vld [tilespmem:s0+$0x460]  }
0xdd: {  	v0 =	vld [tilespmem:s0+$0x470]  }
0xde: {  	v16 =	vld [tilespmem:s0+$0xC000]  }
0xdf: {  	v17 =	vld [tilespmem:s0+$0xC010]  }
0xe0: {  	v18 =	vld [tilespmem:s0+$0xC020]  }
0xe1: {  	v19 =	vld [tilespmem:s0+$0xC030]  }
0xe2: {  	v20 =	vld [tilespmem:s0+$0xC040]  }
0xe3: {  	v60 =	vld [tilespmem:s0+$0xC050];
	v7 =	vadd.f32 v7, v16  }
0xe4: {  	v61 =	vld [tilespmem:s0+$0xC060];
	v8 =	vadd.f32 v8, v17  }
0xe5: {  	v62 =	vld [tilespmem:s0+$0xC070];
	[tilespmem:s0+$0xC000] =	vst v7;
	v7 =	vadd.f32 v9, v18  }
0xe6: {  	v63 =	vld [tilespmem:s0+$0xC400];
	[tilespmem:s0+$0xC010] =	vst v8;
	v8 =	vadd.f32 v10, v19  }
0xe7: {  	v10 =	vld [tilespmem:s0+$0xC410];
	[tilespmem:s0+$0xC020] =	vst v7;
	v7 =	vadd.f32 v11, v20  }
0xe8: {  	v9 =	vld [tilespmem:s0+$0xC420];
	[tilespmem:s0+$0xC030] =	vst v8;
	v8 =	vadd.f32 v12, v60  }
0xe9: {  	v11 =	vadd.f32 v13, v61;
	[tilespmem:s0+$0xC040] =	vst v7;
	v7 =	vld [tilespmem:s0+$0xC430]  }
0xea: {  	v13 =	vadd.f32 v14, v62;
	[tilespmem:s0+$0xC050] =	vst v8;
	v8 =	vld [tilespmem:s0+$0xC440]  }
0xeb: {  	s1 =	simm.s32 $0x80;
	s3 =	simm.s32 $0x100;
	v12 =	vadd.f32 v15, v63;
	[tilespmem:s0+$0xC060] =	vst v11;
	v11 =	vld [tilespmem:s0+$0xC450]  }
.LBB2_7:
0xec: {  	s4 =	sand.u32 $0x3800, s3;
	s6 =	sand.u32 $0x380, s1;
	p0 =	sne.s32 s3, $0x3F00;
	[tilespmem:s0+$0xC070] =	vst v13;
	v6 =	vadd.f32 v6, v10;
	v10 =	vld [tilespmem:s0+$0xC460]  }
0xed: {  	s4 =	sor.u32 s6, s4;
	[tilespmem:s0+$0xC400] =	vst v12;
	v5 =	vadd.f32 v5, v9;
	v9 =	vld [tilespmem:s0+$0xC470]  }
0xee: {  	v12 =	vld [tilespmem:s4+$0x0];
	[tilespmem:s0+$0xC410] =	vst v6;
	v4 =	vadd.f32 v4, v7  }
0xef: {  	v7 =	vld [tilespmem:s4+$0x10];
	[tilespmem:s0+$0xC420] =	vst v5;
	v3 =	vadd.f32 v3, v8  }
0xf0: {  	v8 =	vld [tilespmem:s4+$0x20];
	[tilespmem:s0+$0xC430] =	vst v4;
	v2 =	vadd.f32 v2, v11  }
0xf1: {  	v11 =	vld [tilespmem:s4+$0x30];
	[tilespmem:s0+$0xC440] =	vst v3;
	v1 =	vadd.f32 v1, v10  }
0xf2: {  	v10 =	vld [tilespmem:s4+$0x40];
	[tilespmem:s0+$0xC450] =	vst v2;
	v0 =	vadd.f32 v0, v9  }
0xf3: {  	v9 =	vld [tilespmem:s4+$0x50];
	[tilespmem:s0+$0xC460] =	vst v1  }
0xf4: {  	v13 =	vld [tilespmem:s4+$0x60];
	[tilespmem:s0+$0xC470] =	vst v0;
	s0 =	smov.u32 s4  }
0xf5: {  	v14 =	vld [tilespmem:s0+$0x70]  }
0xf6: {  	v15 =	vld [tilespmem:s0+$0x400]  }
0xf7: {  	v6 =	vld [tilespmem:s0+$0x410]  }
0xf8: {  	v5 =	vld [tilespmem:s0+$0x420]  }
0xf9: {  	v4 =	vld [tilespmem:s0+$0x430]  }
0xfa: {  	v3 =	vld [tilespmem:s0+$0x440]  }
0xfb: {  	v2 =	vld [tilespmem:s0+$0x450]  }
0xfc: {  	v1 =	vld [tilespmem:s0+$0x460]  }
0xfd: {  	v0 =	vld [tilespmem:s0+$0x470]  }
0xfe: {  	v16 =	vld [tilespmem:s0+$0xC000]  }
0xff: {  	v17 =	vld [tilespmem:s0+$0xC010]  }
0x100: {  	v18 =	vld [tilespmem:s0+$0xC020]  }
0x101: {  	v19 =	vld [tilespmem:s0+$0xC030]  }
0x102: {  	v20 =	vld [tilespmem:s0+$0xC040]  }
0x103: {  	v12 =	vadd.f32 v12, v16;
	v16 =	vld [tilespmem:s0+$0xC050]  }
0x104: {  	v7 =	vadd.f32 v7, v17;
	v17 =	vld [tilespmem:s0+$0xC060]  }
0x105: {  	[tilespmem:s0+$0xC000] =	vst v12;
	v8 =	vadd.f32 v8, v18;
	v12 =	vld [tilespmem:s0+$0xC070]  }
0x106: {  	[tilespmem:s0+$0xC010] =	vst v7;
	v7 =	vadd.f32 v11, v19;
	v11 =	vld [tilespmem:s0+$0xC400]  }
.Ltmp4:
0x107: {  	[tilespmem:s0+$0xC020] =	vst v8;
	v8 =	vadd.f32 v10, v20;
	v10 =	vld [tilespmem:s0+$0xC410];
	(pc) =	sbr.rel @p0 .LBB2_7-.Ltmp4, $4  }
0x108: {  	[tilespmem:s0+$0xC030] =	vst v7;
	v16 =	vadd.f32 v9, v16;
	v9 =	vld [tilespmem:s0+$0xC420]  }
0x109: {  	[tilespmem:s0+$0xC040] =	vst v8;
	v17 =	vadd.f32 v13, v17;
	v7 =	vld [tilespmem:s0+$0xC430]  }
0x10a: {  	[tilespmem:s0+$0xC050] =	vst v16;
	v13 =	vadd.f32 v14, v12;
	v8 =	vld [tilespmem:s0+$0xC440]  }
0x10b: {  	s1 =	sadd.s32 $0x80, s1;
	s3 =	sadd.s32 $0x100, s3;
	[tilespmem:s0+$0xC060] =	vst v17;
	v12 =	vadd.f32 v15, v11;
	v11 =	vld [tilespmem:s0+$0xC450]  }
0x10c: {  	[tilespmem:s0+$0xC070] =	vst v13;
	v6 =	vadd.f32 v6, v10;
	v10 =	vld [tilespmem:s0+$0xC460]  }
0x10d: {  	[tilespmem:s0+$0xC400] =	vst v12;
	v5 =	vadd.f32 v5, v9;
	v9 =	vld [tilespmem:s0+$0xC470]  }
0x10e: {  	[tilespmem:s0+$0xC410] =	vst v6;
	v4 =	vadd.f32 v4, v7  }
0x10f: {  	[tilespmem:s0+$0xC420] =	vst v5;
	v3 =	vadd.f32 v3, v8  }
0x110: {  	[tilespmem:s0+$0xC430] =	vst v4;
	v2 =	vadd.f32 v2, v11  }
0x111: {  	[tilespmem:s0+$0xC440] =	vst v3;
	v1 =	vadd.f32 v1, v10  }
0x112: {  	[tilespmem:s0+$0xC450] =	vst v2;
	v0 =	vadd.f32 v0, v9  }
0x113: {  	p0 =	seq.s32 s29, $0x1F;
	[tilespmem:s0+$0xC460] =	vst v1  }
0x114: {  	s3 =	sadd.s32 $0x4000, s31;
	[tilespmem:s0+$0xC470] =	vst v0;
	s0 =	simm.s32 @!p0 $0x5  }
0x115: {  	[hbm4b:s3+s2] =	stream.linear.scatter [tilespmem:s17], [sflag:$0x7], $0x4000, $0x38;
	[tilespmem:$0x14000] =	vst v63  }
0x116: {  	_ =	swait.ge @!p0 [sflag:s0], $0x4000  }
0x117: {  	s1 =	sadd.s32 @!p0 s30, s11;
	[sflag:s0] =	ssyncset.done @!p0 $0x0  }
0x118: {  	[sflag:s0] =	ssyncadd.s32 @!p0 $0xFFFFC000;
	s0 =	sshll.u32 @!p0 s1, $0xD  }
0x119: {  	s3 =	simm.s32 @!p0 $0x4000;
	s1 =	simm.s32 @!p0 $0x0;
	s0 =	sadd.s32 @!p0 s0, s10  }
0x11a: {  	[tilespmem:s3], [sflag:$0x1] =	stream.linear.gather @!p0 [hbm4b:s0+s1], $0x4000, $0x38;
	[tilespmem:$0x14000] =	vst v63  }
0x11b: {  	s4 =	simm.s32 $0x0;
	_ =	swait.ge [sflag:s22], $0x4000  }
0x11c: {  	s6 =	sand.u32 $0x3800, s4;
	s0 =	sand.u32 $0x380, s4;
	[sflag:s22] =	ssyncset.done $0x0  }
0x11d: {  	s0 =	sor.u32 s0, s6;
	[sflag:s22] =	ssyncadd.s32 $0xFFFFC000  }
0x11e: {  	v7 =	vld [tilespmem:s0+$0x0]  }
0x11f: {  	v8 =	vld [tilespmem:s0+$0x10]  }
0x120: {  	v9 =	vld [tilespmem:s0+$0x20]  }
0x121: {  	v10 =	vld [tilespmem:s0+$0x30]  }
0x122: {  	v11 =	vld [tilespmem:s0+$0x40]  }
0x123: {  	v12 =	vld [tilespmem:s0+$0x50]  }
0x124: {  	v13 =	vld [tilespmem:s0+$0x60]  }
0x125: {  	v14 =	vld [tilespmem:s0+$0x70]  }
0x126: {  	v15 =	vld [tilespmem:s0+$0x400]  }
0x127: {  	v6 =	vld [tilespmem:s0+$0x410]  }
0x128: {  	v5 =	vld [tilespmem:s0+$0x420]  }
0x129: {  	v4 =	vld [tilespmem:s0+$0x430]  }
0x12a: {  	v3 =	vld [tilespmem:s0+$0x440]  }
0x12b: {  	v2 =	vld [tilespmem:s0+$0x450]  }
0x12c: {  	v1 =	vld [tilespmem:s0+$0x460]  }
0x12d: {  	v0 =	vld [tilespmem:s0+$0x470]  }
0x12e: {  	v16 =	vld [tilespmem:s0+$0x10000]  }
0x12f: {  	v17 =	vld [tilespmem:s0+$0x10010]  }
0x130: {  	v18 =	vld [tilespmem:s0+$0x10020]  }
0x131: {  	v19 =	vld [tilespmem:s0+$0x10030]  }
0x132: {  	v20 =	vld [tilespmem:s0+$0x10040]  }
0x133: {  	v60 =	vld [tilespmem:s0+$0x10050];
	v7 =	vadd.f32 v7, v16  }
0x134: {  	v61 =	vld [tilespmem:s0+$0x10060];
	v8 =	vadd.f32 v8, v17  }
0x135: {  	v62 =	vld [tilespmem:s0+$0x10070];
	[tilespmem:s0+$0x10000] =	vst v7;
	v7 =	vadd.f32 v9, v18  }
0x136: {  	v63 =	vld [tilespmem:s0+$0x10400];
	[tilespmem:s0+$0x10010] =	vst v8;
	v8 =	vadd.f32 v10, v19  }
0x137: {  	v10 =	vld [tilespmem:s0+$0x10410];
	[tilespmem:s0+$0x10020] =	vst v7;
	v7 =	vadd.f32 v11, v20  }
0x138: {  	v9 =	vld [tilespmem:s0+$0x10420];
	[tilespmem:s0+$0x10030] =	vst v8;
	v8 =	vadd.f32 v12, v60  }
0x139: {  	v11 =	vadd.f32 v13, v61;
	[tilespmem:s0+$0x10040] =	vst v7;
	v7 =	vld [tilespmem:s0+$0x10430]  }
0x13a: {  	v13 =	vadd.f32 v14, v62;
	[tilespmem:s0+$0x10050] =	vst v8;
	v8 =	vld [tilespmem:s0+$0x10440]  }
0x13b: {  	s1 =	simm.s32 $0x80;
	s3 =	simm.s32 $0x100;
	v12 =	vadd.f32 v15, v63;
	[tilespmem:s0+$0x10060] =	vst v11;
	v11 =	vld [tilespmem:s0+$0x10450]  }
.LBB2_9:
0x13c: {  	s4 =	sand.u32 $0x3800, s3;
	s6 =	sand.u32 $0x380, s1;
	p1 =	sne.s32 s3, $0x3F00;
	[tilespmem:s0+$0x10070] =	vst v13;
	v6 =	vadd.f32 v6, v10;
	v10 =	vld [tilespmem:s0+$0x10460]  }
0x13d: {  	s4 =	sor.u32 s6, s4;
	[tilespmem:s0+$0x10400] =	vst v12;
	v5 =	vadd.f32 v5, v9;
	v9 =	vld [tilespmem:s0+$0x10470]  }
0x13e: {  	v12 =	vld [tilespmem:s4+$0x0];
	[tilespmem:s0+$0x10410] =	vst v6;
	v4 =	vadd.f32 v4, v7  }
0x13f: {  	v7 =	vld [tilespmem:s4+$0x10];
	[tilespmem:s0+$0x10420] =	vst v5;
	v3 =	vadd.f32 v3, v8  }
0x140: {  	v8 =	vld [tilespmem:s4+$0x20];
	[tilespmem:s0+$0x10430] =	vst v4;
	v2 =	vadd.f32 v2, v11  }
0x141: {  	v11 =	vld [tilespmem:s4+$0x30];
	[tilespmem:s0+$0x10440] =	vst v3;
	v1 =	vadd.f32 v1, v10  }
0x142: {  	v10 =	vld [tilespmem:s4+$0x40];
	[tilespmem:s0+$0x10450] =	vst v2;
	v0 =	vadd.f32 v0, v9  }
0x143: {  	v9 =	vld [tilespmem:s4+$0x50];
	[tilespmem:s0+$0x10460] =	vst v1  }
0x144: {  	v13 =	vld [tilespmem:s4+$0x60];
	[tilespmem:s0+$0x10470] =	vst v0;
	s0 =	smov.u32 s4  }
0x145: {  	v14 =	vld [tilespmem:s0+$0x70]  }
0x146: {  	v15 =	vld [tilespmem:s0+$0x400]  }
0x147: {  	v6 =	vld [tilespmem:s0+$0x410]  }
0x148: {  	v5 =	vld [tilespmem:s0+$0x420]  }
0x149: {  	v4 =	vld [tilespmem:s0+$0x430]  }
0x14a: {  	v3 =	vld [tilespmem:s0+$0x440]  }
0x14b: {  	v2 =	vld [tilespmem:s0+$0x450]  }
0x14c: {  	v1 =	vld [tilespmem:s0+$0x460]  }
0x14d: {  	v0 =	vld [tilespmem:s0+$0x470]  }
0x14e: {  	v16 =	vld [tilespmem:s0+$0x10000]  }
0x14f: {  	v17 =	vld [tilespmem:s0+$0x10010]  }
0x150: {  	v18 =	vld [tilespmem:s0+$0x10020]  }
0x151: {  	v19 =	vld [tilespmem:s0+$0x10030]  }
0x152: {  	v20 =	vld [tilespmem:s0+$0x10040]  }
0x153: {  	v12 =	vadd.f32 v12, v16;
	v16 =	vld [tilespmem:s0+$0x10050]  }
0x154: {  	v7 =	vadd.f32 v7, v17;
	v17 =	vld [tilespmem:s0+$0x10060]  }
0x155: {  	[tilespmem:s0+$0x10000] =	vst v12;
	v8 =	vadd.f32 v8, v18;
	v12 =	vld [tilespmem:s0+$0x10070]  }
0x156: {  	[tilespmem:s0+$0x10010] =	vst v7;
	v7 =	vadd.f32 v11, v19;
	v11 =	vld [tilespmem:s0+$0x10400]  }
.Ltmp5:
0x157: {  	[tilespmem:s0+$0x10020] =	vst v8;
	v8 =	vadd.f32 v10, v20;
	v10 =	vld [tilespmem:s0+$0x10410];
	(pc) =	sbr.rel @p1 .LBB2_9-.Ltmp5, $4  }
0x158: {  	[tilespmem:s0+$0x10030] =	vst v7;
	v16 =	vadd.f32 v9, v16;
	v9 =	vld [tilespmem:s0+$0x10420]  }
0x159: {  	[tilespmem:s0+$0x10040] =	vst v8;
	v17 =	vadd.f32 v13, v17;
	v7 =	vld [tilespmem:s0+$0x10430]  }
0x15a: {  	[tilespmem:s0+$0x10050] =	vst v16;
	v13 =	vadd.f32 v14, v12;
	v8 =	vld [tilespmem:s0+$0x10440]  }
0x15b: {  	s1 =	sadd.s32 $0x80, s1;
	s3 =	sadd.s32 $0x100, s3;
	[tilespmem:s0+$0x10060] =	vst v17;
	v12 =	vadd.f32 v15, v11;
	v11 =	vld [tilespmem:s0+$0x10450]  }
0x15c: {  	[tilespmem:s0+$0x10070] =	vst v13;
	v6 =	vadd.f32 v6, v10;
	v62 =	vld [tilespmem:s0+$0x10460]  }
0x15d: {  	v63 =	vld [tilespmem:s0+$0x10470];
	[tilespmem:s0+$0x10400] =	vst v12;
	v5 =	vadd.f32 v5, v9  }
0x15e: {  	[tilespmem:s0+$0x10410] =	vst v6;
	v4 =	vadd.f32 v4, v7  }
0x15f: {  	[tilespmem:s0+$0x10420] =	vst v5;
	v3 =	vadd.f32 v3, v8  }
0x160: {  	[tilespmem:s0+$0x10430] =	vst v4;
	v2 =	vadd.f32 v2, v11  }
.Ltmp6:
0x161: {  	[tilespmem:s0+$0x10440] =	vst v3;
	v1 =	vadd.f32 v1, v62;
	(pc) =	sbr.rel @p0 .LBB2_12-.Ltmp6, $4  }
0x162: {  	v0 =	vadd.f32 v0, v63;
	[tilespmem:s0+$0x10450] =	vst v2  }
0x163: {  	[tilespmem:s0+$0x10460] =	vst v1  }
0x164: {  	s31 =	sadd.s32 $0x6000, s31;
	[tilespmem:s0+$0x10470] =	vst v0  }
0x165: {  	[hbm4b:s31+s2] =	stream.linear.scatter [tilespmem:s18], [sflag:$0x8], $0x4000, $0x38;
	[tilespmem:$0x14000] =	vst v63  }
.Ltmp7:
0x166: {  	(pc) =	sbr.rel .LBB2_2-.Ltmp7, $4  }
0x167: {  	_ =	swait.ge [sflag:s24], $0x4000;
	s0 =	sadd.s32 s30, s12  }
0x168: {  	[sflag:s24] =	ssyncset.done $0x0;
	s0 =	sshll.u32 s0, $0xD  }
0x169: {  	s29 =	sadd.s32 $0x1, s29;
	[sflag:s24] =	ssyncadd.s32 $0xFFFFC000;
	s0 =	sadd.s32 s0, s10  }
0x16a: {  	[tilespmem:s16], [sflag:$0x2] =	stream.linear.gather [hbm4b:s0+s2], $0x4000, $0x38;
	[tilespmem:$0x14000] =	vst v63  }
.LBB2_13:
0x16b: {  	_ =	sfence.sel $0x180000  }
0x16c: {  	[bflag:$0x0] =	sbarrier.arrive $0xFFFF  }
0x16d: {  	_ =	strace $0x90000047  }
0x16e: {  	s0 =	stileid.u32;
	[bflag:$0x2] =	sbarrier.arrive $0xFFFF  }
0x16f: {  	p0 =	sne.s32 s0, $0x0;
	s0 =	rddreg [dreg:$0x3]  }
0x170: {  	s0 =	sadd.s32 @!p0 $0x100000, s0  }
0x171: {  	[sflag:s0] =	ssyncadd.tile.s32 @!p0 $0x1;
	_ =	shalt  }
.Lfunc_end2:
_tile_overlayer_lowered:
.L_overlay_start_2:
0x172: {  	(tag) =	ssettag $0x2  }
0x173: {  	s0 =	rddreg [dreg:$0x0];
	s2 =	stileid.u32  }
0x174: {  	s1 =	rddreg [dreg:$0x1];
	p0 =	sne.s32 s2, $0x0  }
0x175: {  	s3 =	rddreg [dreg:$0x2];
	[bflag:$0x3] =	sbarrier.arrive $0xFFFF;
	s2 =	simm.s32 @!p0 $0x1C09  }
0x176: {  	[timem:s3], [sflag:s2] =	dma.local @!p0 [hbm:s0], s1  }
0x177: {  	s0 =	simm.s32 @!p0 $0x9  }
0x178: {  	_ =	swait.ge @!p0 [sflag:s0], s1  }
0x179: {  	s1 =	ssub.s32 @!p0 $0x0, s1;
	[sflag:s0] =	ssyncset.done @!p0 $0x0  }
0x17a: {  	[sflag:s0] =	ssyncadd.s32 @!p0 s1  }
0x17b: {  	[bflag:$0x3] =	sbarrier.arrive $0xFFFF  }
0x17c: {  	_ =	shalt  }

</sc_bundles>
